<compile_context>
chip_gen: v7x
topology: tpu7x:2x2x1
jax: 0.10.2.dev20260603
libtpu: 0.0.44.dev20260713+nightly
codegen_flags: <defaults>
</compile_context>

<pallas_src>
import jax
import jax.numpy as jnp
from jax import lax
from jax.experimental import pallas as pl
from jax.experimental.pallas import tpu as pltpu
from jax.experimental.pallas import tpu_sc as plsc

NC, NS = 2, 16
NW = NC * NS
CHUNK = 128
RB = 1024
N_PAD = 49 * RB
F = 16
NBUF = 8
GLA = 4
SUB = 112


def _deg_body(edges_hbm, zeros_hbm, out_hbm, deg_v, idx_v):
    c = lax.axis_index("c")
    s = lax.axis_index("s")
    w = s * NC + c
    nchunks = idx_v.shape[0]
    chunk0 = pl.multiple_of(w * nchunks, 8)
    pltpu.sync_copy(zeros_hbm, deg_v)
    pltpu.sync_copy(edges_hbm.at[1, pl.ds(chunk0, nchunks)], idx_v)
    ones = jnp.ones((16,), jnp.float32)

    def body(r, carry):
        for k in range(8):
            idx16 = idx_v[r, pl.ds(k * 16, 16)]
            plsc.addupdate_scatter(deg_v, [idx16], ones)
        return carry

    lax.fori_loop(0, nchunks, body, 0)
    pltpu.sync_copy(deg_v, out_hbm.at[w])


def _agg_body(edges_hbm, u_hbm, dinv_hbm, crow_hbm, zeros2_hbm, out_hbm,
              acc_sh, src_v, dst_v, rows, gsems, ssems,
              abuf, ubuf, dbuf, crow_v):
    c = lax.axis_index("c")
    s = lax.axis_index("s")
    w = s * NC + c
    rows_per_tile = N_PAD // NS
    nchunks = src_v.shape[0]
    row0 = pl.multiple_of(s * rows_per_tile, 8)
    chunk0 = pl.multiple_of(w * nchunks, 8)
    pltpu.sync_copy(zeros2_hbm.at[pl.ds(row0, rows_per_tile)],
                    acc_sh.at[pl.ds(row0, rows_per_tile)])
    pltpu.sync_copy(edges_hbm.at[0, pl.ds(chunk0, nchunks)], src_v)
    pltpu.sync_copy(edges_hbm.at[1, pl.ds(chunk0, nchunks)], dst_v)
    pltpu.sync_copy(crow_hbm, crow_v)
    plsc.subcore_barrier()

    def gstart(j, b):
        pltpu.async_copy(u_hbm.at[src_v.at[j]], rows[b], gsems[b])

    def gwait(j, b):
        pltpu.make_async_copy(u_hbm.at[src_v.at[j]], rows[b], gsems[b]).wait()

    def sstart(j, b):
        pltpu.async_copy(rows[b], acc_sh.at[dst_v.at[j]], ssems[b], add=True)

    def swait(j, b):
        pltpu.make_async_copy(rows[b], acc_sh.at[dst_v.at[j]], ssems[b]).wait()

    for b in range(GLA):
        gstart(b, b)

    def body(g, carry):
        for b in range(NBUF):
            j = g * NBUF + b
            gwait(j, b)
            sstart(j, b)
            jn = j + GLA
            bn = (b + GLA) % NBUF

            @pl.when(jn < nchunks)
            def _():
                @pl.when(jn >= NBUF)
                def _():
                    swait(jn - NBUF, bn)
                gstart(jn, bn)
        return carry

    lax.fori_loop(0, nchunks // NBUF, body, 0)
    for b in range(NBUF):
        swait(nchunks - NBUF + b, b)

    plsc.subcore_barrier()

    zero16 = jnp.zeros((16,), jnp.float32)
    cr = jnp.where(c == 0, crow_v[pl.ds(0, 16)], zero16)

    def fin_block(o, carry):
        r = row0 + o * SUB
        pltpu.sync_copy(acc_sh.at[pl.ds(r, SUB)], abuf)
        pltpu.sync_copy(dinv_hbm.at[pl.ds(r, SUB)], dbuf)

        @pl.when(c == 0)
        def _():
            pltpu.sync_copy(u_hbm.at[pl.ds(r, SUB)], ubuf)

            def uadd(i, carry2):
                abuf[i] = abuf[i] + ubuf[i]
                return carry2

            lax.fori_loop(0, SUB, uadd, 0)

        def rowloop(i, carry2):
            dv = dbuf[pl.ds(i * 16, 16)]
            for k in range(16):
                row = i * 16 + k
                abuf[row] = dv[k] * abuf[row] + cr
            return carry2

        lax.fori_loop(0, SUB // 16, rowloop, 0)
        pltpu.sync_copy(abuf, out_hbm.at[c, pl.ds(r, SUB)])
        return carry

    lax.fori_loop(0, rows_per_tile // SUB, fin_block, 0)


def _prep_body(x_ref, degp_ref, w2_ref, u_ref, dinv_ref):
    deg = jnp.sum(degp_ref[...], axis=0) + 1.0
    dinv = lax.rsqrt(deg)
    z = jnp.dot(x_ref[...], w2_ref[...], preferred_element_type=jnp.float32)
    u_ref[...] = z * dinv[:, None]
    dinv_ref[...] = dinv


def kernel(nodes, edges, Wg, bg, Wl, bl):
    N = nodes.shape[0]
    E = edges.shape[1]
    x = nodes.reshape(N, 80).astype(jnp.float32)

    Wl3 = Wl.reshape(10, 16, 10)
    W2 = jnp.einsum('cd,kdj->kcj', Wg, Wl3).reshape(80, 10)
    W2p = jnp.zeros((80, F), jnp.float32).at[:, :10].set(W2)
    crow = bg @ Wl3.sum(0) + bl
    crow16 = jnp.zeros((16,), jnp.float32).at[:10].set(crow)

    grp = CHUNK * NW * 8
    E_pad = ((E + grp - 1) // grp) * grp
    nchunks_w = E_pad // (CHUNK * NW)
    edges_m = jnp.pad(edges.astype(jnp.int32), ((0, 0), (0, E_pad - E)),
                      constant_values=N).reshape(2, E_pad // CHUNK, CHUNK)

    zeros1 = jnp.zeros((N_PAD,), jnp.float32)
    zeros2 = jnp.zeros((N_PAD, F), jnp.float32)

    mesh = plsc.VectorSubcoreMesh(core_axis_name="c", subcore_axis_name="s",
                                  num_cores=NC, num_subcores=NS)
    sc_params = pltpu.CompilerParams(needs_layout_passes=False,
                                     use_tc_tiling_on_sc=False)

    degp = pl.kernel(
        _deg_body,
        out_type=jax.ShapeDtypeStruct((NW, N_PAD), jnp.float32),
        mesh=mesh,
        scratch_types=[
            pltpu.VMEM((N_PAD,), jnp.float32),
            pltpu.VMEM((nchunks_w, CHUNK), jnp.int32),
        ],
        compiler_params=sc_params,
    )(edges_m, zeros1)

    nblk = N_PAD // RB
    U, dinv = pl.pallas_call(
        _prep_body,
        grid=(nblk,),
        in_specs=[
            pl.BlockSpec((RB, 80), lambda i: (i, 0)),
            pl.BlockSpec((NW, RB), lambda i: (0, i)),
            pl.BlockSpec((80, F), lambda i: (0, 0)),
        ],
        out_specs=[
            pl.BlockSpec((RB, F), lambda i: (i, 0)),
            pl.BlockSpec((RB,), lambda i: (i,)),
        ],
        out_shape=[
            jax.ShapeDtypeStruct((N_PAD, F), jnp.float32),
            jax.ShapeDtypeStruct((N_PAD,), jnp.float32),
        ],
    )(x, degp, W2p)

    yv = pl.kernel(
        _agg_body,
        out_type=jax.ShapeDtypeStruct((NC, N_PAD, F), jnp.float32),
        mesh=mesh,
        scratch_types=[
            pltpu.VMEM_SHARED((N_PAD, F), jnp.float32),
            pltpu.VMEM((nchunks_w, CHUNK), jnp.int32),
            pltpu.VMEM((nchunks_w, CHUNK), jnp.int32),
            [pltpu.VMEM((CHUNK, F), jnp.float32) for _ in range(NBUF)],
            [pltpu.SemaphoreType.DMA for _ in range(NBUF)],
            [pltpu.SemaphoreType.DMA for _ in range(NBUF)],
            pltpu.VMEM((SUB, F), jnp.float32),
            pltpu.VMEM((SUB, F), jnp.float32),
            pltpu.VMEM((SUB,), jnp.float32),
            pltpu.VMEM((16,), jnp.float32),
        ],
        compiler_params=sc_params,
    )(edges_m, U, dinv, crow16, zeros2)

    return (yv[0] + yv[1])[:N, :10]

# --- scband reference (transcript-rebuilt; emitter-appended) ---
"""Pipeline reference for scband-gcn-49134425866313 (READ-ONLY COPY).

The authoritative reference and input builder live on the scoring server;
editing this copy changes nothing except your own understanding.
"""

import jax, jax.numpy as jnp
import numpy as np

N_NODES = 50000
N_EDGES = 800000

def setup_inputs(seed: int = 0) -> dict:
    key = jax.random.key(seed)
    k1, k2, k3, k4, k5, k6 = jax.random.split(key, 6)
    nodes = jax.random.normal(k1, (N_NODES, 10, 8), dtype=jnp.float32)
    edges = jax.random.randint(k2, (2, N_EDGES), 0, N_NODES, dtype=jnp.int64)
    # GCNConv(8, 16) params (glorot-ish init)
    Wg = jax.random.normal(k3, (8, 16), dtype=jnp.float32) * (1.0 / np.sqrt(8.0))
    bg = jnp.zeros((16,), dtype=jnp.float32)
    # nn.Linear(160, 10) params
    Wl = jax.random.normal(k4, (160, 10), dtype=jnp.float32) * (1.0 / np.sqrt(160.0))
    bl = jax.random.normal(k5, (10,), dtype=jnp.float32) * 0.01
    return {"nodes": nodes, "edges": edges, "Wg": Wg, "bg": bg, "Wl": Wl, "bl": bl}

def _gcn_conv(x, edge_index, Wg, bg):
    # x: [N, 10, 8] -> [N, 10, 16], symmetric-normalized aggregation (GCNConv semantics)
    N = x.shape[0]
    xw = jnp.einsum('nkc,cd->nkd', x, Wg)  # [N, 10, 16]
    loop = jnp.arange(N, dtype=edge_index.dtype)
    src = jnp.concatenate([edge_index[0], loop])
    dst = jnp.concatenate([edge_index[1], loop])
    deg = jnp.zeros((N,), dtype=xw.dtype).at[dst].add(1.0)
    deg_inv_sqrt = jnp.where(deg > 0, 1.0 / jnp.sqrt(deg), 0.0)
    norm = deg_inv_sqrt[src] * deg_inv_sqrt[dst]  # [E+N]
    msgs = xw[src] * norm[:, None, None]          # gather + scale
    out = jnp.zeros_like(xw).at[dst].add(msgs)    # scatter-add
    return out + bg

def reference(nodes, edges, Wg, bg, Wl, bl):
    o = _gcn_conv(nodes, edges, Wg, bg)      # [N, 10, 16]
    o = o.reshape(o.shape[0], -1)            # [N, 160]
    o = o @ Wl + bl                          # [N, 10]
    return o

if __name__ == "__main__":
    import jax
    _d = setup_inputs()
    print(jax.jit(kernel)(*tuple(_d.values())))

</pallas_src>

<mosaic_0001>
#map = affine_map<(d0, d1) -> (0, 0, 0)>
#map1 = affine_map<(d0, d1) -> (0)>
#map2 = affine_map<(d0, d1) -> (0, 0)>
module attributes {stable_mosaic.version = 14 : i64} {
  func.func @_deg_body(%arg0: i32, %arg1: i32, %arg2: memref<2x6400x128xi32, #tpu.memory_space<hbm>>, %arg3: memref<50176xf32, #tpu.memory_space<hbm>>, %arg4: memref<32x50176xf32, #tpu.memory_space<hbm>>, %arg5: memref<50176xf32, #tpu.memory_space<vmem>>, %arg6: memref<200x128xi32, #tpu.memory_space<vmem>>) attributes {dimension_semantics = [#tpu.dimension_semantics<core_parallel>, #tpu.dimension_semantics<subcore_parallel>], iteration_bounds = array<i64: 2, 16>, scalar_prefetch = 0 : i64, scratch_operands = 2 : i64, tpu.core_type = #tpu.core_type<sc_vector_subcore>, window_params = [{transform_indices = #map}, {transform_indices = #map1}, {transform_indices = #map2}]} {
    %mul3A = arith.constant 2 : i32
    %mul3A_0 = arith.muli %arg1, %mul3A : i32
    %add3A = arith.addi %mul3A_0, %arg0 : i32
    %mul3A_1 = arith.constant 200 : i32
    %mul3A_2 = arith.muli %add3A, %mul3A_1 : i32
    %multiple_of3A = tpu.assume_multiple %mul3A_2, 8 : i32
    "tpu.region"() ({
      %run_scoped3A_9 = tpu.sem_alloc : memref<!tpu.dma_semaphore, #tpu.memory_space<semaphore_mem>>
      tpu.enqueue_dma source(%arg3 : memref<50176xf32, #tpu.memory_space<hbm>>) target(%arg5 : memref<50176xf32, #tpu.memory_space<vmem>>) target_semaphore(%run_scoped3A_9 : memref<!tpu.dma_semaphore, #tpu.memory_space<semaphore_mem>>)
      tpu.wait_dma2 semaphore(%run_scoped3A_9 : memref<!tpu.dma_semaphore, #tpu.memory_space<semaphore_mem>>) src(%arg3 : memref<50176xf32, #tpu.memory_space<hbm>>) dst(%arg5 : memref<50176xf32, #tpu.memory_space<vmem>>)
      tpu.yield
    }) : () -> ()
    %run_scoped3A = arith.constant 1 : i32
    "tpu.region"() ({
      %run_scoped3A_9 = tpu.sem_alloc : memref<!tpu.dma_semaphore, #tpu.memory_space<semaphore_mem>>
      %dma_start3A = arith.constant 0 : i32
      %dma_start3A_10 = tpu.memref_slice %arg2[%run_scoped3A, %multiple_of3A, %dma_start3A] : memref<2x6400x128xi32, #tpu.memory_space<hbm>> -> memref<1x200x128xi32, #tpu.memory_space<hbm>>
      %dma_start3A_11 = tpu.memref_squeeze %dma_start3A_10 : memref<1x200x128xi32, #tpu.memory_space<hbm>> -> memref<200x128xi32, #tpu.memory_space<hbm>>
      %dma_start3A_12 = arith.constant 0 : i32
      %dma_start3A_13 = tpu.memref_slice %arg2[%run_scoped3A, %multiple_of3A, %dma_start3A_12] : memref<2x6400x128xi32, #tpu.memory_space<hbm>> -> memref<1x200x128xi32, #tpu.memory_space<hbm>>
      %dma_start3A_14 = tpu.memref_squeeze %dma_start3A_13 : memref<1x200x128xi32, #tpu.memory_space<hbm>> -> memref<200x128xi32, #tpu.memory_space<hbm>>
      tpu.enqueue_dma source(%dma_start3A_14 : memref<200x128xi32, #tpu.memory_space<hbm>>) target(%arg6 : memref<200x128xi32, #tpu.memory_space<vmem>>) target_semaphore(%run_scoped3A_9 : memref<!tpu.dma_semaphore, #tpu.memory_space<semaphore_mem>>)
      %dma_wait3A = arith.constant 0 : i32
      %dma_wait3A_15 = tpu.memref_slice %arg2[%run_scoped3A, %multiple_of3A, %dma_wait3A] : memref<2x6400x128xi32, #tpu.memory_space<hbm>> -> memref<1x200x128xi32, #tpu.memory_space<hbm>>
      %dma_wait3A_16 = tpu.memref_squeeze %dma_wait3A_15 : memref<1x200x128xi32, #tpu.memory_space<hbm>> -> memref<200x128xi32, #tpu.memory_space<hbm>>
      %dma_wait3A_17 = arith.constant 0 : i32
      %dma_wait3A_18 = tpu.memref_slice %arg2[%run_scoped3A, %multiple_of3A, %dma_wait3A_17] : memref<2x6400x128xi32, #tpu.memory_space<hbm>> -> memref<1x200x128xi32, #tpu.memory_space<hbm>>
      %dma_wait3A_19 = tpu.memref_squeeze %dma_wait3A_18 : memref<1x200x128xi32, #tpu.memory_space<hbm>> -> memref<200x128xi32, #tpu.memory_space<hbm>>
      tpu.wait_dma2 semaphore(%run_scoped3A_9 : memref<!tpu.dma_semaphore, #tpu.memory_space<semaphore_mem>>) src(%dma_wait3A_19 : memref<200x128xi32, #tpu.memory_space<hbm>>) dst(%arg6 : memref<200x128xi32, #tpu.memory_space<vmem>>)
      tpu.yield
    }) : () -> ()
    %broadcast_in_dim3A = arith.constant 1.000000e+00 : f32
    %broadcast_in_dim3A_3 = vector.broadcast %broadcast_in_dim3A : f32 to vector<16xf32>
    %scan3A = arith.constant 0 : i32
    %scan3A_4 = arith.constant 0 : i32
    %scan3A_5 = arith.constant 200 : i32
    %scan3A_6 = arith.addi %scan3A_4, %scan3A_5 : i32
    %scan3A_7 = arith.constant 1 : i32
    scf.for %scan3A_9 = %scan3A_4 to %scan3A_6 step %scan3A_7  : i32 {
      %get3A = arith.index_cast %scan3A_9 : i32 to index
      %get3A_10 = arith.constant 0 : index
      %get3A_11 = tpu.vector_load %arg6[%get3A, %get3A_10] {strides = array<i32>} : memref<200x128xi32, #tpu.memory_space<vmem>>, vector<16xi32>,
      tpu.vector_store_idx %arg5[%get3A_11], %broadcast_in_dim3A_3 {add = true} : memref<50176xf32, #tpu.memory_space<vmem>>[vector<16xi32>], vector<16xf32>,
      %get3A_12 = arith.index_cast %scan3A_9 : i32 to index
      %get3A_13 = arith.constant 16 : index
      %get3A_14 = tpu.vector_load %arg6[%get3A_12, %get3A_13] {strides = array<i32>} : memref<200x128xi32, #tpu.memory_space<vmem>>, vector<16xi32>,
      tpu.vector_store_idx %arg5[%get3A_14], %broadcast_in_dim3A_3 {add = true} : memref<50176xf32, #tpu.memory_space<vmem>>[vector<16xi32>], vector<16xf32>,
      %get3A_15 = arith.index_cast %scan3A_9 : i32 to index
      %get3A_16 = arith.constant 32 : index
      %get3A_17 = tpu.vector_load %arg6[%get3A_15, %get3A_16] {strides = array<i32>} : memref<200x128xi32, #tpu.memory_space<vmem>>, vector<16xi32>,
      tpu.vector_store_idx %arg5[%get3A_17], %broadcast_in_dim3A_3 {add = true} : memref<50176xf32, #tpu.memory_space<vmem>>[vector<16xi32>], vector<16xf32>,
      %get3A_18 = arith.index_cast %scan3A_9 : i32 to index
      %get3A_19 = arith.constant 48 : index
      %get3A_20 = tpu.vector_load %arg6[%get3A_18, %get3A_19] {strides = array<i32>} : memref<200x128xi32, #tpu.memory_space<vmem>>, vector<16xi32>,
      tpu.vector_store_idx %arg5[%get3A_20], %broadcast_in_dim3A_3 {add = true} : memref<50176xf32, #tpu.memory_space<vmem>>[vector<16xi32>], vector<16xf32>,
      %get3A_21 = arith.index_cast %scan3A_9 : i32 to index
      %get3A_22 = arith.constant 64 : index
      %get3A_23 = tpu.vector_load %arg6[%get3A_21, %get3A_22] {strides = array<i32>} : memref<200x128xi32, #tpu.memory_space<vmem>>, vector<16xi32>,
      tpu.vector_store_idx %arg5[%get3A_23], %broadcast_in_dim3A_3 {add = true} : memref<50176xf32, #tpu.memory_space<vmem>>[vector<16xi32>], vector<16xf32>,
      %get3A_24 = arith.index_cast %scan3A_9 : i32 to index
      %get3A_25 = arith.constant 80 : index
      %get3A_26 = tpu.vector_load %arg6[%get3A_24, %get3A_25] {strides = array<i32>} : memref<200x128xi32, #tpu.memory_space<vmem>>, vector<16xi32>,
      tpu.vector_store_idx %arg5[%get3A_26], %broadcast_in_dim3A_3 {add = true} : memref<50176xf32, #tpu.memory_space<vmem>>[vector<16xi32>], vector<16xf32>,
      %get3A_27 = arith.index_cast %scan3A_9 : i32 to index
      %get3A_28 = arith.constant 96 : index
      %get3A_29 = tpu.vector_load %arg6[%get3A_27, %get3A_28] {strides = array<i32>} : memref<200x128xi32, #tpu.memory_space<vmem>>, vector<16xi32>,
      tpu.vector_store_idx %arg5[%get3A_29], %broadcast_in_dim3A_3 {add = true} : memref<50176xf32, #tpu.memory_space<vmem>>[vector<16xi32>], vector<16xf32>,
      %get3A_30 = arith.index_cast %scan3A_9 : i32 to index
      %get3A_31 = arith.constant 112 : index
      %get3A_32 = tpu.vector_load %arg6[%get3A_30, %get3A_31] {strides = array<i32>} : memref<200x128xi32, #tpu.memory_space<vmem>>, vector<16xi32>,
      tpu.vector_store_idx %arg5[%get3A_32], %broadcast_in_dim3A_3 {add = true} : memref<50176xf32, #tpu.memory_space<vmem>>[vector<16xi32>], vector<16xf32>,
    }
    %scan3A_8 = arith.constant 200 : i32
    "tpu.region"() ({
      %run_scoped3A_9 = tpu.sem_alloc : memref<!tpu.dma_semaphore, #tpu.memory_space<semaphore_mem>>
      %dma_start3A = arith.constant 0 : i32
      %dma_start3A_10 = tpu.memref_slice %arg4[%add3A, %dma_start3A] : memref<32x50176xf32, #tpu.memory_space<hbm>> -> memref<1x50176xf32, #tpu.memory_space<hbm>>
      %dma_start3A_11 = tpu.memref_squeeze %dma_start3A_10 : memref<1x50176xf32, #tpu.memory_space<hbm>> -> memref<50176xf32, #tpu.memory_space<hbm>>
      %dma_start3A_12 = arith.constant 0 : i32
      %dma_start3A_13 = tpu.memref_slice %arg4[%add3A, %dma_start3A_12] : memref<32x50176xf32, #tpu.memory_space<hbm>> -> memref<1x50176xf32, #tpu.memory_space<hbm>>
      %dma_start3A_14 = tpu.memref_squeeze %dma_start3A_13 : memref<1x50176xf32, #tpu.memory_space<hbm>> -> memref<50176xf32, #tpu.memory_space<hbm>>
      tpu.enqueue_dma source(%arg5 : memref<50176xf32, #tpu.memory_space<vmem>>) target(%dma_start3A_14 : memref<50176xf32, #tpu.memory_space<hbm>>) target_semaphore(%run_scoped3A_9 : memref<!tpu.dma_semaphore, #tpu.memory_space<semaphore_mem>>)
      %dma_wait3A = arith.constant 0 : i32
      %dma_wait3A_15 = tpu.memref_slice %arg4[%add3A, %dma_wait3A] : memref<32x50176xf32, #tpu.memory_space<hbm>> -> memref<1x50176xf32, #tpu.memory_space<hbm>>
      %dma_wait3A_16 = tpu.memref_squeeze %dma_wait3A_15 : memref<1x50176xf32, #tpu.memory_space<hbm>> -> memref<50176xf32, #tpu.memory_space<hbm>>
      %dma_wait3A_17 = arith.constant 0 : i32
      %dma_wait3A_18 = tpu.memref_slice %arg4[%add3A, %dma_wait3A_17] : memref<32x50176xf32, #tpu.memory_space<hbm>> -> memref<1x50176xf32, #tpu.memory_space<hbm>>
      %dma_wait3A_19 = tpu.memref_squeeze %dma_wait3A_18 : memref<1x50176xf32, #tpu.memory_space<hbm>> -> memref<50176xf32, #tpu.memory_space<hbm>>
      tpu.wait_dma2 semaphore(%run_scoped3A_9 : memref<!tpu.dma_semaphore, #tpu.memory_space<semaphore_mem>>) src(%arg5 : memref<50176xf32, #tpu.memory_space<vmem>>) dst(%dma_wait3A_19 : memref<50176xf32, #tpu.memory_space<hbm>>)
      tpu.yield
    }) : () -> ()
    return
  }
}

#map = affine_map<(d0, d1) -> (0, 0, 0)>
#map1 = affine_map<(d0, d1) -> (0, 0)>
#map2 = affine_map<(d0, d1) -> (0)>
module attributes {stable_mosaic.version = 14 : i64} {
  func.func @_agg_body(%arg0: i32, %arg1: i32, %arg2: memref<2x6400x128xi32, #tpu.memory_space<hbm>>, %arg3: memref<50176x16xf32, #tpu.memory_space<hbm>>, %arg4: memref<50176xf32, #tpu.memory_space<hbm>>, %arg5: memref<16xf32, #tpu.memory_space<hbm>>, %arg6: memref<50176x16xf32, #tpu.memory_space<hbm>>, %arg7: memref<2x50176x16xf32, #tpu.memory_space<hbm>>, %arg8: memref<50176x16xf32, #tpu.memory_space<vmem_shared>>, %arg9: memref<200x128xi32, #tpu.memory_space<vmem>>, %arg10: memref<200x128xi32, #tpu.memory_space<vmem>>, %arg11: memref<128x16xf32, #tpu.memory_space<vmem>>, %arg12: memref<128x16xf32, #tpu.memory_space<vmem>>, %arg13: memref<128x16xf32, #tpu.memory_space<vmem>>, %arg14: memref<128x16xf32, #tpu.memory_space<vmem>>, %arg15: memref<128x16xf32, #tpu.memory_space<vmem>>, %arg16: memref<128x16xf32, #tpu.memory_space<vmem>>, %arg17: memref<128x16xf32, #tpu.memory_space<vmem>>, %arg18: memref<128x16xf32, #tpu.memory_space<vmem>>, %arg19: memref<!tpu.dma_semaphore, #tpu.memory_space<semaphore_mem>>, %arg20: memref<!tpu.dma_semaphore, #tpu.memory_space<semaphore_mem>>, %arg21: memref<!tpu.dma_semaphore, #tpu.memory_space<semaphore_mem>>, %arg22: memref<!tpu.dma_semaphore, #tpu.memory_space<semaphore_mem>>, %arg23: memref<!tpu.dma_semaphore, #tpu.memory_space<semaphore_mem>>, %arg24: memref<!tpu.dma_semaphore, #tpu.memory_space<semaphore_mem>>, %arg25: memref<!tpu.dma_semaphore, #tpu.memory_space<semaphore_mem>>, %arg26: memref<!tpu.dma_semaphore, #tpu.memory_space<semaphore_mem>>, %arg27: memref<!tpu.dma_semaphore, #tpu.memory_space<semaphore_mem>>, %arg28: memref<!tpu.dma_semaphore, #tpu.memory_space<semaphore_mem>>, %arg29: memref<!tpu.dma_semaphore, #tpu.memory_space<semaphore_mem>>, %arg30: memref<!tpu.dma_semaphore, #tpu.memory_space<semaphore_mem>>, %arg31: memref<!tpu.dma_semaphore, #tpu.memory_space<semaphore_mem>>, %arg32: memref<!tpu.dma_semaphore, #tpu.memory_space<semaphore_mem>>, %arg33: memref<!tpu.dma_semaphore, #tpu.memory_space<semaphore_mem>>, %arg34: memref<!tpu.dma_semaphore, #tpu.memory_space<semaphore_mem>>, %arg35: memref<112x16xf32, #tpu.memory_space<vmem>>, %arg36: memref<112x16xf32, #tpu.memory_space<vmem>>, %arg37: memref<112xf32, #tpu.memory_space<vmem>>, %arg38: memref<16xf32, #tpu.memory_space<vmem>>) attributes {dimension_semantics = [#tpu.dimension_semantics<core_parallel>, #tpu.dimension_semantics<subcore_parallel>], iteration_bounds = array<i64: 2, 16>, scalar_prefetch = 0 : i64, scratch_operands = 31 : i64, tpu.core_type = #tpu.core_type<sc_vector_subcore>, window_params = [{transform_indices = #map}, {transform_indices = #map1}, {transform_indices = #map2}, {transform_indices = #map2}, {transform_indices = #map1}, {transform_indices = #map}]} {
    %mul3A = arith.constant 2 : i32
    %mul3A_0 = arith.muli %arg1, %mul3A : i32
    %add3A = arith.addi %mul3A_0, %arg0 : i32
    %mul3A_1 = arith.constant 3136 : i32
    %mul3A_2 = arith.muli %arg1, %mul3A_1 : i32
    %multiple_of3A = tpu.assume_multiple %mul3A_2, 8 : i32
    %mul3A_3 = arith.constant 200 : i32
    %mul3A_4 = arith.muli %add3A, %mul3A_3 : i32
    %multiple_of3A_5 = tpu.assume_multiple %mul3A_4, 8 : i32
    "tpu.region"() ({
      %run_scoped3A_104 = tpu.sem_alloc : memref<!tpu.dma_semaphore, #tpu.memory_space<semaphore_mem>>
      %dma_start3A_105 = arith.constant 0 : i32
      %dma_start3A_106 = tpu.memref_slice %arg8[%multiple_of3A, %dma_start3A_105] : memref<50176x16xf32, #tpu.memory_space<vmem_shared>> -> memref<3136x16xf32, #tpu.memory_space<vmem_shared>>
      %dma_start3A_107 = arith.constant 0 : i32
      %dma_start3A_108 = tpu.memref_slice %arg6[%multiple_of3A, %dma_start3A_107] : memref<50176x16xf32, #tpu.memory_space<hbm>> -> memref<3136x16xf32, #tpu.memory_space<hbm>>
      tpu.enqueue_dma source(%dma_start3A_108 : memref<3136x16xf32, #tpu.memory_space<hbm>>) target(%dma_start3A_106 : memref<3136x16xf32, #tpu.memory_space<vmem_shared>>) target_semaphore(%run_scoped3A_104 : memref<!tpu.dma_semaphore, #tpu.memory_space<semaphore_mem>>)
      %dma_wait3A_109 = arith.constant 0 : i32
      %dma_wait3A_110 = tpu.memref_slice %arg8[%multiple_of3A, %dma_wait3A_109] : memref<50176x16xf32, #tpu.memory_space<vmem_shared>> -> memref<3136x16xf32, #tpu.memory_space<vmem_shared>>
      %dma_wait3A_111 = arith.constant 0 : i32
      %dma_wait3A_112 = tpu.memref_slice %arg6[%multiple_of3A, %dma_wait3A_111] : memref<50176x16xf32, #tpu.memory_space<hbm>> -> memref<3136x16xf32, #tpu.memory_space<hbm>>
      tpu.wait_dma2 semaphore(%run_scoped3A_104 : memref<!tpu.dma_semaphore, #tpu.memory_space<semaphore_mem>>) src(%dma_wait3A_112 : memref<3136x16xf32, #tpu.memory_space<hbm>>) dst(%dma_wait3A_110 : memref<3136x16xf32, #tpu.memory_space<vmem_shared>>)
      tpu.yield
    }) : () -> ()
    %run_scoped3A = arith.constant 0 : i32
    "tpu.region"() ({
      %run_scoped3A_104 = tpu.sem_alloc : memref<!tpu.dma_semaphore, #tpu.memory_space<semaphore_mem>>
      %dma_start3A_105 = arith.constant 0 : i32
      %dma_start3A_106 = tpu.memref_slice %arg2[%run_scoped3A, %multiple_of3A_5, %dma_start3A_105] : memref<2x6400x128xi32, #tpu.memory_space<hbm>> -> memref<1x200x128xi32, #tpu.memory_space<hbm>>
      %dma_start3A_107 = tpu.memref_squeeze %dma_start3A_106 : memref<1x200x128xi32, #tpu.memory_space<hbm>> -> memref<200x128xi32, #tpu.memory_space<hbm>>
      %dma_start3A_108 = arith.constant 0 : i32
      %dma_start3A_109 = tpu.memref_slice %arg2[%run_scoped3A, %multiple_of3A_5, %dma_start3A_108] : memref<2x6400x128xi32, #tpu.memory_space<hbm>> -> memref<1x200x128xi32, #tpu.memory_space<hbm>>
      %dma_start3A_110 = tpu.memref_squeeze %dma_start3A_109 : memref<1x200x128xi32, #tpu.memory_space<hbm>> -> memref<200x128xi32, #tpu.memory_space<hbm>>
      tpu.enqueue_dma source(%dma_start3A_110 : memref<200x128xi32, #tpu.memory_space<hbm>>) target(%arg9 : memref<200x128xi32, #tpu.memory_space<vmem>>) target_semaphore(%run_scoped3A_104 : memref<!tpu.dma_semaphore, #tpu.memory_space<semaphore_mem>>)
      %dma_wait3A_111 = arith.constant 0 : i32
      %dma_wait3A_112 = tpu.memref_slice %arg2[%run_scoped3A, %multiple_of3A_5, %dma_wait3A_111] : memref<2x6400x128xi32, #tpu.memory_space<hbm>> -> memref<1x200x128xi32, #tpu.memory_space<hbm>>
      %dma_wait3A_113 = tpu.memref_squeeze %dma_wait3A_112 : memref<1x200x128xi32, #tpu.memory_space<hbm>> -> memref<200x128xi32, #tpu.memory_space<hbm>>
      %dma_wait3A_114 = arith.constant 0 : i32
      %dma_wait3A_115 = tpu.memref_slice %arg2[%run_scoped3A, %multiple_of3A_5, %dma_wait3A_114] : memref<2x6400x128xi32, #tpu.memory_space<hbm>> -> memref<1x200x128xi32, #tpu.memory_space<hbm>>
      %dma_wait3A_116 = tpu.memref_squeeze %dma_wait3A_115 : memref<1x200x128xi32, #tpu.memory_space<hbm>> -> memref<200x128xi32, #tpu.memory_space<hbm>>
      tpu.wait_dma2 semaphore(%run_scoped3A_104 : memref<!tpu.dma_semaphore, #tpu.memory_space<semaphore_mem>>) src(%dma_wait3A_116 : memref<200x128xi32, #tpu.memory_space<hbm>>) dst(%arg9 : memref<200x128xi32, #tpu.memory_space<vmem>>)
      tpu.yield
    }) : () -> ()
    %run_scoped3A_6 = arith.constant 1 : i32
    "tpu.region"() ({
      %run_scoped3A_104 = tpu.sem_alloc : memref<!tpu.dma_semaphore, #tpu.memory_space<semaphore_mem>>
      %dma_start3A_105 = arith.constant 0 : i32
      %dma_start3A_106 = tpu.memref_slice %arg2[%run_scoped3A_6, %multiple_of3A_5, %dma_start3A_105] : memref<2x6400x128xi32, #tpu.memory_space<hbm>> -> memref<1x200x128xi32, #tpu.memory_space<hbm>>
      %dma_start3A_107 = tpu.memref_squeeze %dma_start3A_106 : memref<1x200x128xi32, #tpu.memory_space<hbm>> -> memref<200x128xi32, #tpu.memory_space<hbm>>
      %dma_start3A_108 = arith.constant 0 : i32
      %dma_start3A_109 = tpu.memref_slice %arg2[%run_scoped3A_6, %multiple_of3A_5, %dma_start3A_108] : memref<2x6400x128xi32, #tpu.memory_space<hbm>> -> memref<1x200x128xi32, #tpu.memory_space<hbm>>
      %dma_start3A_110 = tpu.memref_squeeze %dma_start3A_109 : memref<1x200x128xi32, #tpu.memory_space<hbm>> -> memref<200x128xi32, #tpu.memory_space<hbm>>
      tpu.enqueue_dma source(%dma_start3A_110 : memref<200x128xi32, #tpu.memory_space<hbm>>) target(%arg10 : memref<200x128xi32, #tpu.memory_space<vmem>>) target_semaphore(%run_scoped3A_104 : memref<!tpu.dma_semaphore, #tpu.memory_space<semaphore_mem>>)
      %dma_wait3A_111 = arith.constant 0 : i32
      %dma_wait3A_112 = tpu.memref_slice %arg2[%run_scoped3A_6, %multiple_of3A_5, %dma_wait3A_111] : memref<2x6400x128xi32, #tpu.memory_space<hbm>> -> memref<1x200x128xi32, #tpu.memory_space<hbm>>
      %dma_wait3A_113 = tpu.memref_squeeze %dma_wait3A_112 : memref<1x200x128xi32, #tpu.memory_space<hbm>> -> memref<200x128xi32, #tpu.memory_space<hbm>>
      %dma_wait3A_114 = arith.constant 0 : i32
      %dma_wait3A_115 = tpu.memref_slice %arg2[%run_scoped3A_6, %multiple_of3A_5, %dma_wait3A_114] : memref<2x6400x128xi32, #tpu.memory_space<hbm>> -> memref<1x200x128xi32, #tpu.memory_space<hbm>>
      %dma_wait3A_116 = tpu.memref_squeeze %dma_wait3A_115 : memref<1x200x128xi32, #tpu.memory_space<hbm>> -> memref<200x128xi32, #tpu.memory_space<hbm>>
      tpu.wait_dma2 semaphore(%run_scoped3A_104 : memref<!tpu.dma_semaphore, #tpu.memory_space<semaphore_mem>>) src(%dma_wait3A_116 : memref<200x128xi32, #tpu.memory_space<hbm>>) dst(%arg10 : memref<200x128xi32, #tpu.memory_space<vmem>>)
      tpu.yield
    }) : () -> ()
    "tpu.region"() ({
      %run_scoped3A_104 = tpu.sem_alloc : memref<!tpu.dma_semaphore, #tpu.memory_space<semaphore_mem>>
      tpu.enqueue_dma source(%arg5 : memref<16xf32, #tpu.memory_space<hbm>>) target(%arg38 : memref<16xf32, #tpu.memory_space<vmem>>) target_semaphore(%run_scoped3A_104 : memref<!tpu.dma_semaphore, #tpu.memory_space<semaphore_mem>>)
      tpu.wait_dma2 semaphore(%run_scoped3A_104 : memref<!tpu.dma_semaphore, #tpu.memory_space<semaphore_mem>>) src(%arg5 : memref<16xf32, #tpu.memory_space<hbm>>) dst(%arg38 : memref<16xf32, #tpu.memory_space<vmem>>)
      tpu.yield
    }) : () -> ()
    %barrier3A = arith.constant 0 : index
    tpu.barrier barrier_id(%barrier3A)
    %dma_start3A = arith.constant 0 : i32
    %dma_start3A_7 = arith.constant 0 : i32
    %dma_start3A_8 = tpu.memref_slice %arg9[%dma_start3A, %dma_start3A_7] : memref<200x128xi32, #tpu.memory_space<vmem>> -> memref<1x128xi32, #tpu.memory_space<vmem>>
    %dma_start3A_9 = tpu.memref_squeeze %dma_start3A_8 : memref<1x128xi32, #tpu.memory_space<vmem>> -> memref<128xi32, #tpu.memory_space<vmem>>
    %dma_start3A_10 = arith.constant 0 : i32
    %dma_start3A_11 = arith.constant 0 : i32
    %dma_start3A_12 = tpu.memref_slice %arg3[%dma_start3A_10, %dma_start3A_11] : memref<50176x16xf32, #tpu.memory_space<hbm>> -> memref<50176x16xf32, #tpu.memory_space<hbm>>
    tpu.enqueue_indirect_dma source(%dma_start3A_12 : memref<50176x16xf32, #tpu.memory_space<hbm>>) target(%arg11 : memref<128x16xf32, #tpu.memory_space<vmem>>) offsets(%dma_start3A_9 : memref<128xi32, #tpu.memory_space<vmem>>) semaphore(%arg19 : memref<!tpu.dma_semaphore, #tpu.memory_space<semaphore_mem>>)
    %dma_start3A_13 = arith.constant 1 : i32
    %dma_start3A_14 = arith.constant 0 : i32
    %dma_start3A_15 = tpu.memref_slice %arg9[%dma_start3A_13, %dma_start3A_14] : memref<200x128xi32, #tpu.memory_space<vmem>> -> memref<1x128xi32, #tpu.memory_space<vmem>>
    %dma_start3A_16 = tpu.memref_squeeze %dma_start3A_15 : memref<1x128xi32, #tpu.memory_space<vmem>> -> memref<128xi32, #tpu.memory_space<vmem>>
    %dma_start3A_17 = arith.constant 0 : i32
    %dma_start3A_18 = arith.constant 0 : i32
    %dma_start3A_19 = tpu.memref_slice %arg3[%dma_start3A_17, %dma_start3A_18] : memref<50176x16xf32, #tpu.memory_space<hbm>> -> memref<50176x16xf32, #tpu.memory_space<hbm>>
    tpu.enqueue_indirect_dma source(%dma_start3A_19 : memref<50176x16xf32, #tpu.memory_space<hbm>>) target(%arg12 : memref<128x16xf32, #tpu.memory_space<vmem>>) offsets(%dma_start3A_16 : memref<128xi32, #tpu.memory_space<vmem>>) semaphore(%arg20 : memref<!tpu.dma_semaphore, #tpu.memory_space<semaphore_mem>>)
    %dma_start3A_20 = arith.constant 2 : i32
    %dma_start3A_21 = arith.constant 0 : i32
    %dma_start3A_22 = tpu.memref_slice %arg9[%dma_start3A_20, %dma_start3A_21] : memref<200x128xi32, #tpu.memory_space<vmem>> -> memref<1x128xi32, #tpu.memory_space<vmem>>
    %dma_start3A_23 = tpu.memref_squeeze %dma_start3A_22 : memref<1x128xi32, #tpu.memory_space<vmem>> -> memref<128xi32, #tpu.memory_space<vmem>>
    %dma_start3A_24 = arith.constant 0 : i32
    %dma_start3A_25 = arith.constant 0 : i32
    %dma_start3A_26 = tpu.memref_slice %arg3[%dma_start3A_24, %dma_start3A_25] : memref<50176x16xf32, #tpu.memory_space<hbm>> -> memref<50176x16xf32, #tpu.memory_space<hbm>>
    tpu.enqueue_indirect_dma source(%dma_start3A_26 : memref<50176x16xf32, #tpu.memory_space<hbm>>) target(%arg13 : memref<128x16xf32, #tpu.memory_space<vmem>>) offsets(%dma_start3A_23 : memref<128xi32, #tpu.memory_space<vmem>>) semaphore(%arg21 : memref<!tpu.dma_semaphore, #tpu.memory_space<semaphore_mem>>)
    %dma_start3A_27 = arith.constant 3 : i32
    %dma_start3A_28 = arith.constant 0 : i32
    %dma_start3A_29 = tpu.memref_slice %arg9[%dma_start3A_27, %dma_start3A_28] : memref<200x128xi32, #tpu.memory_space<vmem>> -> memref<1x128xi32, #tpu.memory_space<vmem>>
    %dma_start3A_30 = tpu.memref_squeeze %dma_start3A_29 : memref<1x128xi32, #tpu.memory_space<vmem>> -> memref<128xi32, #tpu.memory_space<vmem>>
    %dma_start3A_31 = arith.constant 0 : i32
    %dma_start3A_32 = arith.constant 0 : i32
    %dma_start3A_33 = tpu.memref_slice %arg3[%dma_start3A_31, %dma_start3A_32] : memref<50176x16xf32, #tpu.memory_space<hbm>> -> memref<50176x16xf32, #tpu.memory_space<hbm>>
    tpu.enqueue_indirect_dma source(%dma_start3A_33 : memref<50176x16xf32, #tpu.memory_space<hbm>>) target(%arg14 : memref<128x16xf32, #tpu.memory_space<vmem>>) offsets(%dma_start3A_30 : memref<128xi32, #tpu.memory_space<vmem>>) semaphore(%arg22 : memref<!tpu.dma_semaphore, #tpu.memory_space<semaphore_mem>>)
    %scan3A = arith.constant 0 : i32
    %scan3A_34 = arith.constant 0 : i32
    %scan3A_35 = arith.constant 25 : i32
    %scan3A_36 = arith.addi %scan3A_34, %scan3A_35 : i32
    %scan3A_37 = arith.constant 1 : i32
    scf.for %scan3A_104 = %scan3A_34 to %scan3A_36 step %scan3A_37  : i32 {
      %mul3A_105 = arith.constant 8 : i32
      %mul3A_106 = arith.muli %scan3A_104, %mul3A_105 : i32
      %add3A_107 = arith.constant 0 : i32
      %add3A_108 = arith.addi %mul3A_106, %add3A_107 : i32
      %dma_wait3A_109 = arith.constant 0 : i32
      %dma_wait3A_110 = tpu.memref_slice %arg9[%add3A_108, %dma_wait3A_109] : memref<200x128xi32, #tpu.memory_space<vmem>> -> memref<1x128xi32, #tpu.memory_space<vmem>>
      %dma_wait3A_111 = tpu.memref_squeeze %dma_wait3A_110 : memref<1x128xi32, #tpu.memory_space<vmem>> -> memref<128xi32, #tpu.memory_space<vmem>>
      %dma_wait3A_112 = arith.constant 0 : i32
      %dma_wait3A_113 = arith.constant 0 : i32
      %dma_wait3A_114 = tpu.memref_slice %arg3[%dma_wait3A_112, %dma_wait3A_113] : memref<50176x16xf32, #tpu.memory_space<hbm>> -> memref<50176x16xf32, #tpu.memory_space<hbm>>
      tpu.wait_indirect_dma semaphore(%arg19 : memref<!tpu.dma_semaphore, #tpu.memory_space<semaphore_mem>>) src(%dma_wait3A_114 : memref<50176x16xf32, #tpu.memory_space<hbm>>) dst(%arg11 : memref<128x16xf32, #tpu.memory_space<vmem>>)
      %dma_start3A_115 = arith.constant 0 : i32
      %dma_start3A_116 = tpu.memref_slice %arg10[%add3A_108, %dma_start3A_115] : memref<200x128xi32, #tpu.memory_space<vmem>> -> memref<1x128xi32, #tpu.memory_space<vmem>>
      %dma_start3A_117 = tpu.memref_squeeze %dma_start3A_116 : memref<1x128xi32, #tpu.memory_space<vmem>> -> memref<128xi32, #tpu.memory_space<vmem>>
      %dma_start3A_118 = arith.constant 0 : i32
      %dma_start3A_119 = arith.constant 0 : i32
      %dma_start3A_120 = tpu.memref_slice %arg8[%dma_start3A_118, %dma_start3A_119] : memref<50176x16xf32, #tpu.memory_space<vmem_shared>> -> memref<50176x16xf32, #tpu.memory_space<vmem_shared>>
      tpu.enqueue_indirect_dma source(%arg11 : memref<128x16xf32, #tpu.memory_space<vmem>>) target(%dma_start3A_120 : memref<50176x16xf32, #tpu.memory_space<vmem_shared>>) offsets(%dma_start3A_117 : memref<128xi32, #tpu.memory_space<vmem>>) semaphore(%arg27 : memref<!tpu.dma_semaphore, #tpu.memory_space<semaphore_mem>>) {add = true}
      %add3A_121 = arith.constant 4 : i32
      %add3A_122 = arith.addi %add3A_108, %add3A_121 : i32
      %lt3A = arith.constant 200 : i32
      %lt3A_123 = arith.cmpi slt, %add3A_122, %lt3A : i32
      %convert_element_type3A = arith.extui %lt3A_123 : i1 to i32
      %cond3A = arith.constant 0 : i32
      %cond3A_124 = arith.cmpi ne, %convert_element_type3A, %cond3A : i32
      scf.if %cond3A_124 {
        %ge3A = arith.constant 8 : i32
        %ge3A_286 = arith.cmpi sge, %add3A_122, %ge3A : i32
        %convert_element_type3A_287 = arith.extui %ge3A_286 : i1 to i32
        %cond3A_288 = arith.constant 0 : i32
        %cond3A_289 = arith.cmpi ne, %convert_element_type3A_287, %cond3A_288 : i32
        scf.if %cond3A_289 {
          %sub3A = arith.constant 8 : i32
          %sub3A_296 = arith.subi %add3A_122, %sub3A : i32
          %dma_wait3A_297 = arith.constant 0 : i32
          %dma_wait3A_298 = tpu.memref_slice %arg10[%sub3A_296, %dma_wait3A_297] : memref<200x128xi32, #tpu.memory_space<vmem>> -> memref<1x128xi32, #tpu.memory_space<vmem>>
          %dma_wait3A_299 = tpu.memref_squeeze %dma_wait3A_298 : memref<1x128xi32, #tpu.memory_space<vmem>> -> memref<128xi32, #tpu.memory_space<vmem>>
          %dma_wait3A_300 = arith.constant 0 : i32
          %dma_wait3A_301 = arith.constant 0 : i32
          %dma_wait3A_302 = tpu.memref_slice %arg8[%dma_wait3A_300, %dma_wait3A_301] : memref<50176x16xf32, #tpu.memory_space<vmem_shared>> -> memref<50176x16xf32, #tpu.memory_space<vmem_shared>>
          tpu.wait_indirect_dma semaphore(%arg31 : memref<!tpu.dma_semaphore, #tpu.memory_space<semaphore_mem>>) src(%arg15 : memref<128x16xf32, #tpu.memory_space<vmem>>) dst(%dma_wait3A_302 : memref<50176x16xf32, #tpu.memory_space<vmem_shared>>)
        } else {
        }
        %dma_start3A_290 = arith.constant 0 : i32
        %dma_start3A_291 = tpu.memref_slice %arg9[%add3A_122, %dma_start3A_290] : memref<200x128xi32, #tpu.memory_space<vmem>> -> memref<1x128xi32, #tpu.memory_space<vmem>>
        %dma_start3A_292 = tpu.memref_squeeze %dma_start3A_291 : memref<1x128xi32, #tpu.memory_space<vmem>> -> memref<128xi32, #tpu.memory_space<vmem>>
        %dma_start3A_293 = arith.constant 0 : i32
        %dma_start3A_294 = arith.constant 0 : i32
        %dma_start3A_295 = tpu.memref_slice %arg3[%dma_start3A_293, %dma_start3A_294] : memref<50176x16xf32, #tpu.memory_space<hbm>> -> memref<50176x16xf32, #tpu.memory_space<hbm>>
        tpu.enqueue_indirect_dma source(%dma_start3A_295 : memref<50176x16xf32, #tpu.memory_space<hbm>>) target(%arg15 : memref<128x16xf32, #tpu.memory_space<vmem>>) offsets(%dma_start3A_292 : memref<128xi32, #tpu.memory_space<vmem>>) semaphore(%arg23 : memref<!tpu.dma_semaphore, #tpu.memory_space<semaphore_mem>>)
      } else {
      }
      %mul3A_125 = arith.constant 8 : i32
      %mul3A_126 = arith.muli %scan3A_104, %mul3A_125 : i32
      %add3A_127 = arith.constant 1 : i32
      %add3A_128 = arith.addi %mul3A_126, %add3A_127 : i32
      %dma_wait3A_129 = arith.constant 0 : i32
      %dma_wait3A_130 = tpu.memref_slice %arg9[%add3A_128, %dma_wait3A_129] : memref<200x128xi32, #tpu.memory_space<vmem>> -> memref<1x128xi32, #tpu.memory_space<vmem>>
      %dma_wait3A_131 = tpu.memref_squeeze %dma_wait3A_130 : memref<1x128xi32, #tpu.memory_space<vmem>> -> memref<128xi32, #tpu.memory_space<vmem>>
      %dma_wait3A_132 = arith.constant 0 : i32
      %dma_wait3A_133 = arith.constant 0 : i32
      %dma_wait3A_134 = tpu.memref_slice %arg3[%dma_wait3A_132, %dma_wait3A_133] : memref<50176x16xf32, #tpu.memory_space<hbm>> -> memref<50176x16xf32, #tpu.memory_space<hbm>>
      tpu.wait_indirect_dma semaphore(%arg20 : memref<!tpu.dma_semaphore, #tpu.memory_space<semaphore_mem>>) src(%dma_wait3A_134 : memref<50176x16xf32, #tpu.memory_space<hbm>>) dst(%arg12 : memref<128x16xf32, #tpu.memory_space<vmem>>)
      %dma_start3A_135 = arith.constant 0 : i32
      %dma_start3A_136 = tpu.memref_slice %arg10[%add3A_128, %dma_start3A_135] : memref<200x128xi32, #tpu.memory_space<vmem>> -> memref<1x128xi32, #tpu.memory_space<vmem>>
      %dma_start3A_137 = tpu.memref_squeeze %dma_start3A_136 : memref<1x128xi32, #tpu.memory_space<vmem>> -> memref<128xi32, #tpu.memory_space<vmem>>
      %dma_start3A_138 = arith.constant 0 : i32
      %dma_start3A_139 = arith.constant 0 : i32
      %dma_start3A_140 = tpu.memref_slice %arg8[%dma_start3A_138, %dma_start3A_139] : memref<50176x16xf32, #tpu.memory_space<vmem_shared>> -> memref<50176x16xf32, #tpu.memory_space<vmem_shared>>
      tpu.enqueue_indirect_dma source(%arg12 : memref<128x16xf32, #tpu.memory_space<vmem>>) target(%dma_start3A_140 : memref<50176x16xf32, #tpu.memory_space<vmem_shared>>) offsets(%dma_start3A_137 : memref<128xi32, #tpu.memory_space<vmem>>) semaphore(%arg28 : memref<!tpu.dma_semaphore, #tpu.memory_space<semaphore_mem>>) {add = true}
      %add3A_141 = arith.constant 4 : i32
      %add3A_142 = arith.addi %add3A_128, %add3A_141 : i32
      %lt3A_143 = arith.constant 200 : i32
      %lt3A_144 = arith.cmpi slt, %add3A_142, %lt3A_143 : i32
      %convert_element_type3A_145 = arith.extui %lt3A_144 : i1 to i32
      %cond3A_146 = arith.constant 0 : i32
      %cond3A_147 = arith.cmpi ne, %convert_element_type3A_145, %cond3A_146 : i32
      scf.if %cond3A_147 {
        %ge3A = arith.constant 8 : i32
        %ge3A_286 = arith.cmpi sge, %add3A_142, %ge3A : i32
        %convert_element_type3A_287 = arith.extui %ge3A_286 : i1 to i32
        %cond3A_288 = arith.constant 0 : i32
        %cond3A_289 = arith.cmpi ne, %convert_element_type3A_287, %cond3A_288 : i32
        scf.if %cond3A_289 {
          %sub3A = arith.constant 8 : i32
          %sub3A_296 = arith.subi %add3A_142, %sub3A : i32
          %dma_wait3A_297 = arith.constant 0 : i32
          %dma_wait3A_298 = tpu.memref_slice %arg10[%sub3A_296, %dma_wait3A_297] : memref<200x128xi32, #tpu.memory_space<vmem>> -> memref<1x128xi32, #tpu.memory_space<vmem>>
          %dma_wait3A_299 = tpu.memref_squeeze %dma_wait3A_298 : memref<1x128xi32, #tpu.memory_space<vmem>> -> memref<128xi32, #tpu.memory_space<vmem>>
          %dma_wait3A_300 = arith.constant 0 : i32
          %dma_wait3A_301 = arith.constant 0 : i32
          %dma_wait3A_302 = tpu.memref_slice %arg8[%dma_wait3A_300, %dma_wait3A_301] : memref<50176x16xf32, #tpu.memory_space<vmem_shared>> -> memref<50176x16xf32, #tpu.memory_space<vmem_shared>>
          tpu.wait_indirect_dma semaphore(%arg32 : memref<!tpu.dma_semaphore, #tpu.memory_space<semaphore_mem>>) src(%arg16 : memref<128x16xf32, #tpu.memory_space<vmem>>) dst(%dma_wait3A_302 : memref<50176x16xf32, #tpu.memory_space<vmem_shared>>)
        } else {
        }
        %dma_start3A_290 = arith.constant 0 : i32
        %dma_start3A_291 = tpu.memref_slice %arg9[%add3A_142, %dma_start3A_290] : memref<200x128xi32, #tpu.memory_space<vmem>> -> memref<1x128xi32, #tpu.memory_space<vmem>>
        %dma_start3A_292 = tpu.memref_squeeze %dma_start3A_291 : memref<1x128xi32, #tpu.memory_space<vmem>> -> memref<128xi32, #tpu.memory_space<vmem>>
        %dma_start3A_293 = arith.constant 0 : i32
        %dma_start3A_294 = arith.constant 0 : i32
        %dma_start3A_295 = tpu.memref_slice %arg3[%dma_start3A_293, %dma_start3A_294] : memref<50176x16xf32, #tpu.memory_space<hbm>> -> memref<50176x16xf32, #tpu.memory_space<hbm>>
        tpu.enqueue_indirect_dma source(%dma_start3A_295 : memref<50176x16xf32, #tpu.memory_space<hbm>>) target(%arg16 : memref<128x16xf32, #tpu.memory_space<vmem>>) offsets(%dma_start3A_292 : memref<128xi32, #tpu.memory_space<vmem>>) semaphore(%arg24 : memref<!tpu.dma_semaphore, #tpu.memory_space<semaphore_mem>>)
      } else {
      }
      %mul3A_148 = arith.constant 8 : i32
      %mul3A_149 = arith.muli %scan3A_104, %mul3A_148 : i32
      %add3A_150 = arith.constant 2 : i32
      %add3A_151 = arith.addi %mul3A_149, %add3A_150 : i32
      %dma_wait3A_152 = arith.constant 0 : i32
      %dma_wait3A_153 = tpu.memref_slice %arg9[%add3A_151, %dma_wait3A_152] : memref<200x128xi32, #tpu.memory_space<vmem>> -> memref<1x128xi32, #tpu.memory_space<vmem>>
      %dma_wait3A_154 = tpu.memref_squeeze %dma_wait3A_153 : memref<1x128xi32, #tpu.memory_space<vmem>> -> memref<128xi32, #tpu.memory_space<vmem>>
      %dma_wait3A_155 = arith.constant 0 : i32
      %dma_wait3A_156 = arith.constant 0 : i32
      %dma_wait3A_157 = tpu.memref_slice %arg3[%dma_wait3A_155, %dma_wait3A_156] : memref<50176x16xf32, #tpu.memory_space<hbm>> -> memref<50176x16xf32, #tpu.memory_space<hbm>>
      tpu.wait_indirect_dma semaphore(%arg21 : memref<!tpu.dma_semaphore, #tpu.memory_space<semaphore_mem>>) src(%dma_wait3A_157 : memref<50176x16xf32, #tpu.memory_space<hbm>>) dst(%arg13 : memref<128x16xf32, #tpu.memory_space<vmem>>)
      %dma_start3A_158 = arith.constant 0 : i32
      %dma_start3A_159 = tpu.memref_slice %arg10[%add3A_151, %dma_start3A_158] : memref<200x128xi32, #tpu.memory_space<vmem>> -> memref<1x128xi32, #tpu.memory_space<vmem>>
      %dma_start3A_160 = tpu.memref_squeeze %dma_start3A_159 : memref<1x128xi32, #tpu.memory_space<vmem>> -> memref<128xi32, #tpu.memory_space<vmem>>
      %dma_start3A_161 = arith.constant 0 : i32
      %dma_start3A_162 = arith.constant 0 : i32
      %dma_start3A_163 = tpu.memref_slice %arg8[%dma_start3A_161, %dma_start3A_162] : memref<50176x16xf32, #tpu.memory_space<vmem_shared>> -> memref<50176x16xf32, #tpu.memory_space<vmem_shared>>
      tpu.enqueue_indirect_dma source(%arg13 : memref<128x16xf32, #tpu.memory_space<vmem>>) target(%dma_start3A_163 : memref<50176x16xf32, #tpu.memory_space<vmem_shared>>) offsets(%dma_start3A_160 : memref<128xi32, #tpu.memory_space<vmem>>) semaphore(%arg29 : memref<!tpu.dma_semaphore, #tpu.memory_space<semaphore_mem>>) {add = true}
      %add3A_164 = arith.constant 4 : i32
      %add3A_165 = arith.addi %add3A_151, %add3A_164 : i32
      %lt3A_166 = arith.constant 200 : i32
      %lt3A_167 = arith.cmpi slt, %add3A_165, %lt3A_166 : i32
      %convert_element_type3A_168 = arith.extui %lt3A_167 : i1 to i32
      %cond3A_169 = arith.constant 0 : i32
      %cond3A_170 = arith.cmpi ne, %convert_element_type3A_168, %cond3A_169 : i32
      scf.if %cond3A_170 {
        %ge3A = arith.constant 8 : i32
        %ge3A_286 = arith.cmpi sge, %add3A_165, %ge3A : i32
        %convert_element_type3A_287 = arith.extui %ge3A_286 : i1 to i32
        %cond3A_288 = arith.constant 0 : i32
        %cond3A_289 = arith.cmpi ne, %convert_element_type3A_287, %cond3A_288 : i32
        scf.if %cond3A_289 {
          %sub3A = arith.constant 8 : i32
          %sub3A_296 = arith.subi %add3A_165, %sub3A : i32
          %dma_wait3A_297 = arith.constant 0 : i32
          %dma_wait3A_298 = tpu.memref_slice %arg10[%sub3A_296, %dma_wait3A_297] : memref<200x128xi32, #tpu.memory_space<vmem>> -> memref<1x128xi32, #tpu.memory_space<vmem>>
          %dma_wait3A_299 = tpu.memref_squeeze %dma_wait3A_298 : memref<1x128xi32, #tpu.memory_space<vmem>> -> memref<128xi32, #tpu.memory_space<vmem>>
          %dma_wait3A_300 = arith.constant 0 : i32
          %dma_wait3A_301 = arith.constant 0 : i32
          %dma_wait3A_302 = tpu.memref_slice %arg8[%dma_wait3A_300, %dma_wait3A_301] : memref<50176x16xf32, #tpu.memory_space<vmem_shared>> -> memref<50176x16xf32, #tpu.memory_space<vmem_shared>>
          tpu.wait_indirect_dma semaphore(%arg33 : memref<!tpu.dma_semaphore, #tpu.memory_space<semaphore_mem>>) src(%arg17 : memref<128x16xf32, #tpu.memory_space<vmem>>) dst(%dma_wait3A_302 : memref<50176x16xf32, #tpu.memory_space<vmem_shared>>)
        } else {
        }
        %dma_start3A_290 = arith.constant 0 : i32
        %dma_start3A_291 = tpu.memref_slice %arg9[%add3A_165, %dma_start3A_290] : memref<200x128xi32, #tpu.memory_space<vmem>> -> memref<1x128xi32, #tpu.memory_space<vmem>>
        %dma_start3A_292 = tpu.memref_squeeze %dma_start3A_291 : memref<1x128xi32, #tpu.memory_space<vmem>> -> memref<128xi32, #tpu.memory_space<vmem>>
        %dma_start3A_293 = arith.constant 0 : i32
        %dma_start3A_294 = arith.constant 0 : i32
        %dma_start3A_295 = tpu.memref_slice %arg3[%dma_start3A_293, %dma_start3A_294] : memref<50176x16xf32, #tpu.memory_space<hbm>> -> memref<50176x16xf32, #tpu.memory_space<hbm>>
        tpu.enqueue_indirect_dma source(%dma_start3A_295 : memref<50176x16xf32, #tpu.memory_space<hbm>>) target(%arg17 : memref<128x16xf32, #tpu.memory_space<vmem>>) offsets(%dma_start3A_292 : memref<128xi32, #tpu.memory_space<vmem>>) semaphore(%arg25 : memref<!tpu.dma_semaphore, #tpu.memory_space<semaphore_mem>>)
      } else {
      }
      %mul3A_171 = arith.constant 8 : i32
      %mul3A_172 = arith.muli %scan3A_104, %mul3A_171 : i32
      %add3A_173 = arith.constant 3 : i32
      %add3A_174 = arith.addi %mul3A_172, %add3A_173 : i32
      %dma_wait3A_175 = arith.constant 0 : i32
      %dma_wait3A_176 = tpu.memref_slice %arg9[%add3A_174, %dma_wait3A_175] : memref<200x128xi32, #tpu.memory_space<vmem>> -> memref<1x128xi32, #tpu.memory_space<vmem>>
      %dma_wait3A_177 = tpu.memref_squeeze %dma_wait3A_176 : memref<1x128xi32, #tpu.memory_space<vmem>> -> memref<128xi32, #tpu.memory_space<vmem>>
      %dma_wait3A_178 = arith.constant 0 : i32
      %dma_wait3A_179 = arith.constant 0 : i32
      %dma_wait3A_180 = tpu.memref_slice %arg3[%dma_wait3A_178, %dma_wait3A_179] : memref<50176x16xf32, #tpu.memory_space<hbm>> -> memref<50176x16xf32, #tpu.memory_space<hbm>>
      tpu.wait_indirect_dma semaphore(%arg22 : memref<!tpu.dma_semaphore, #tpu.memory_space<semaphore_mem>>) src(%dma_wait3A_180 : memref<50176x16xf32, #tpu.memory_space<hbm>>) dst(%arg14 : memref<128x16xf32, #tpu.memory_space<vmem>>)
      %dma_start3A_181 = arith.constant 0 : i32
      %dma_start3A_182 = tpu.memref_slice %arg10[%add3A_174, %dma_start3A_181] : memref<200x128xi32, #tpu.memory_space<vmem>> -> memref<1x128xi32, #tpu.memory_space<vmem>>
      %dma_start3A_183 = tpu.memref_squeeze %dma_start3A_182 : memref<1x128xi32, #tpu.memory_space<vmem>> -> memref<128xi32, #tpu.memory_space<vmem>>
      %dma_start3A_184 = arith.constant 0 : i32
      %dma_start3A_185 = arith.constant 0 : i32
      %dma_start3A_186 = tpu.memref_slice %arg8[%dma_start3A_184, %dma_start3A_185] : memref<50176x16xf32, #tpu.memory_space<vmem_shared>> -> memref<50176x16xf32, #tpu.memory_space<vmem_shared>>
      tpu.enqueue_indirect_dma source(%arg14 : memref<128x16xf32, #tpu.memory_space<vmem>>) target(%dma_start3A_186 : memref<50176x16xf32, #tpu.memory_space<vmem_shared>>) offsets(%dma_start3A_183 : memref<128xi32, #tpu.memory_space<vmem>>) semaphore(%arg30 : memref<!tpu.dma_semaphore, #tpu.memory_space<semaphore_mem>>) {add = true}
      %add3A_187 = arith.constant 4 : i32
      %add3A_188 = arith.addi %add3A_174, %add3A_187 : i32
      %lt3A_189 = arith.constant 200 : i32
      %lt3A_190 = arith.cmpi slt, %add3A_188, %lt3A_189 : i32
      %convert_element_type3A_191 = arith.extui %lt3A_190 : i1 to i32
      %cond3A_192 = arith.constant 0 : i32
      %cond3A_193 = arith.cmpi ne, %convert_element_type3A_191, %cond3A_192 : i32
      scf.if %cond3A_193 {
        %ge3A = arith.constant 8 : i32
        %ge3A_286 = arith.cmpi sge, %add3A_188, %ge3A : i32
        %convert_element_type3A_287 = arith.extui %ge3A_286 : i1 to i32
        %cond3A_288 = arith.constant 0 : i32
        %cond3A_289 = arith.cmpi ne, %convert_element_type3A_287, %cond3A_288 : i32
        scf.if %cond3A_289 {
          %sub3A = arith.constant 8 : i32
          %sub3A_296 = arith.subi %add3A_188, %sub3A : i32
          %dma_wait3A_297 = arith.constant 0 : i32
          %dma_wait3A_298 = tpu.memref_slice %arg10[%sub3A_296, %dma_wait3A_297] : memref<200x128xi32, #tpu.memory_space<vmem>> -> memref<1x128xi32, #tpu.memory_space<vmem>>
          %dma_wait3A_299 = tpu.memref_squeeze %dma_wait3A_298 : memref<1x128xi32, #tpu.memory_space<vmem>> -> memref<128xi32, #tpu.memory_space<vmem>>
          %dma_wait3A_300 = arith.constant 0 : i32
          %dma_wait3A_301 = arith.constant 0 : i32
          %dma_wait3A_302 = tpu.memref_slice %arg8[%dma_wait3A_300, %dma_wait3A_301] : memref<50176x16xf32, #tpu.memory_space<vmem_shared>> -> memref<50176x16xf32, #tpu.memory_space<vmem_shared>>
          tpu.wait_indirect_dma semaphore(%arg34 : memref<!tpu.dma_semaphore, #tpu.memory_space<semaphore_mem>>) src(%arg18 : memref<128x16xf32, #tpu.memory_space<vmem>>) dst(%dma_wait3A_302 : memref<50176x16xf32, #tpu.memory_space<vmem_shared>>)
        } else {
        }
        %dma_start3A_290 = arith.constant 0 : i32
        %dma_start3A_291 = tpu.memref_slice %arg9[%add3A_188, %dma_start3A_290] : memref<200x128xi32, #tpu.memory_space<vmem>> -> memref<1x128xi32, #tpu.memory_space<vmem>>
        %dma_start3A_292 = tpu.memref_squeeze %dma_start3A_291 : memref<1x128xi32, #tpu.memory_space<vmem>> -> memref<128xi32, #tpu.memory_space<vmem>>
        %dma_start3A_293 = arith.constant 0 : i32
        %dma_start3A_294 = arith.constant 0 : i32
        %dma_start3A_295 = tpu.memref_slice %arg3[%dma_start3A_293, %dma_start3A_294] : memref<50176x16xf32, #tpu.memory_space<hbm>> -> memref<50176x16xf32, #tpu.memory_space<hbm>>
        tpu.enqueue_indirect_dma source(%dma_start3A_295 : memref<50176x16xf32, #tpu.memory_space<hbm>>) target(%arg18 : memref<128x16xf32, #tpu.memory_space<vmem>>) offsets(%dma_start3A_292 : memref<128xi32, #tpu.memory_space<vmem>>) semaphore(%arg26 : memref<!tpu.dma_semaphore, #tpu.memory_space<semaphore_mem>>)
      } else {
      }
      %mul3A_194 = arith.constant 8 : i32
      %mul3A_195 = arith.muli %scan3A_104, %mul3A_194 : i32
      %add3A_196 = arith.constant 4 : i32
      %add3A_197 = arith.addi %mul3A_195, %add3A_196 : i32
      %dma_wait3A_198 = arith.constant 0 : i32
      %dma_wait3A_199 = tpu.memref_slice %arg9[%add3A_197, %dma_wait3A_198] : memref<200x128xi32, #tpu.memory_space<vmem>> -> memref<1x128xi32, #tpu.memory_space<vmem>>
      %dma_wait3A_200 = tpu.memref_squeeze %dma_wait3A_199 : memref<1x128xi32, #tpu.memory_space<vmem>> -> memref<128xi32, #tpu.memory_space<vmem>>
      %dma_wait3A_201 = arith.constant 0 : i32
      %dma_wait3A_202 = arith.constant 0 : i32
      %dma_wait3A_203 = tpu.memref_slice %arg3[%dma_wait3A_201, %dma_wait3A_202] : memref<50176x16xf32, #tpu.memory_space<hbm>> -> memref<50176x16xf32, #tpu.memory_space<hbm>>
      tpu.wait_indirect_dma semaphore(%arg23 : memref<!tpu.dma_semaphore, #tpu.memory_space<semaphore_mem>>) src(%dma_wait3A_203 : memref<50176x16xf32, #tpu.memory_space<hbm>>) dst(%arg15 : memref<128x16xf32, #tpu.memory_space<vmem>>)
      %dma_start3A_204 = arith.constant 0 : i32
      %dma_start3A_205 = tpu.memref_slice %arg10[%add3A_197, %dma_start3A_204] : memref<200x128xi32, #tpu.memory_space<vmem>> -> memref<1x128xi32, #tpu.memory_space<vmem>>
      %dma_start3A_206 = tpu.memref_squeeze %dma_start3A_205 : memref<1x128xi32, #tpu.memory_space<vmem>> -> memref<128xi32, #tpu.memory_space<vmem>>
      %dma_start3A_207 = arith.constant 0 : i32
      %dma_start3A_208 = arith.constant 0 : i32
      %dma_start3A_209 = tpu.memref_slice %arg8[%dma_start3A_207, %dma_start3A_208] : memref<50176x16xf32, #tpu.memory_space<vmem_shared>> -> memref<50176x16xf32, #tpu.memory_space<vmem_shared>>
      tpu.enqueue_indirect_dma source(%arg15 : memref<128x16xf32, #tpu.memory_space<vmem>>) target(%dma_start3A_209 : memref<50176x16xf32, #tpu.memory_space<vmem_shared>>) offsets(%dma_start3A_206 : memref<128xi32, #tpu.memory_space<vmem>>) semaphore(%arg31 : memref<!tpu.dma_semaphore, #tpu.memory_space<semaphore_mem>>) {add = true}
      %add3A_210 = arith.constant 4 : i32
      %add3A_211 = arith.addi %add3A_197, %add3A_210 : i32
      %lt3A_212 = arith.constant 200 : i32
      %lt3A_213 = arith.cmpi slt, %add3A_211, %lt3A_212 : i32
      %convert_element_type3A_214 = arith.extui %lt3A_213 : i1 to i32
      %cond3A_215 = arith.constant 0 : i32
      %cond3A_216 = arith.cmpi ne, %convert_element_type3A_214, %cond3A_215 : i32
      scf.if %cond3A_216 {
        %ge3A = arith.constant 8 : i32
        %ge3A_286 = arith.cmpi sge, %add3A_211, %ge3A : i32
        %convert_element_type3A_287 = arith.extui %ge3A_286 : i1 to i32
        %cond3A_288 = arith.constant 0 : i32
        %cond3A_289 = arith.cmpi ne, %convert_element_type3A_287, %cond3A_288 : i32
        scf.if %cond3A_289 {
          %sub3A = arith.constant 8 : i32
          %sub3A_296 = arith.subi %add3A_211, %sub3A : i32
          %dma_wait3A_297 = arith.constant 0 : i32
          %dma_wait3A_298 = tpu.memref_slice %arg10[%sub3A_296, %dma_wait3A_297] : memref<200x128xi32, #tpu.memory_space<vmem>> -> memref<1x128xi32, #tpu.memory_space<vmem>>
          %dma_wait3A_299 = tpu.memref_squeeze %dma_wait3A_298 : memref<1x128xi32, #tpu.memory_space<vmem>> -> memref<128xi32, #tpu.memory_space<vmem>>
          %dma_wait3A_300 = arith.constant 0 : i32
          %dma_wait3A_301 = arith.constant 0 : i32
          %dma_wait3A_302 = tpu.memref_slice %arg8[%dma_wait3A_300, %dma_wait3A_301] : memref<50176x16xf32, #tpu.memory_space<vmem_shared>> -> memref<50176x16xf32, #tpu.memory_space<vmem_shared>>
          tpu.wait_indirect_dma semaphore(%arg27 : memref<!tpu.dma_semaphore, #tpu.memory_space<semaphore_mem>>) src(%arg11 : memref<128x16xf32, #tpu.memory_space<vmem>>) dst(%dma_wait3A_302 : memref<50176x16xf32, #tpu.memory_space<vmem_shared>>)
        } else {
        }
        %dma_start3A_290 = arith.constant 0 : i32
        %dma_start3A_291 = tpu.memref_slice %arg9[%add3A_211, %dma_start3A_290] : memref<200x128xi32, #tpu.memory_space<vmem>> -> memref<1x128xi32, #tpu.memory_space<vmem>>
        %dma_start3A_292 = tpu.memref_squeeze %dma_start3A_291 : memref<1x128xi32, #tpu.memory_space<vmem>> -> memref<128xi32, #tpu.memory_space<vmem>>
        %dma_start3A_293 = arith.constant 0 : i32
        %dma_start3A_294 = arith.constant 0 : i32
        %dma_start3A_295 = tpu.memref_slice %arg3[%dma_start3A_293, %dma_start3A_294] : memref<50176x16xf32, #tpu.memory_space<hbm>> -> memref<50176x16xf32, #tpu.memory_space<hbm>>
        tpu.enqueue_indirect_dma source(%dma_start3A_295 : memref<50176x16xf32, #tpu.memory_space<hbm>>) target(%arg11 : memref<128x16xf32, #tpu.memory_space<vmem>>) offsets(%dma_start3A_292 : memref<128xi32, #tpu.memory_space<vmem>>) semaphore(%arg19 : memref<!tpu.dma_semaphore, #tpu.memory_space<semaphore_mem>>)
      } else {
      }
      %mul3A_217 = arith.constant 8 : i32
      %mul3A_218 = arith.muli %scan3A_104, %mul3A_217 : i32
      %add3A_219 = arith.constant 5 : i32
      %add3A_220 = arith.addi %mul3A_218, %add3A_219 : i32
      %dma_wait3A_221 = arith.constant 0 : i32
      %dma_wait3A_222 = tpu.memref_slice %arg9[%add3A_220, %dma_wait3A_221] : memref<200x128xi32, #tpu.memory_space<vmem>> -> memref<1x128xi32, #tpu.memory_space<vmem>>
      %dma_wait3A_223 = tpu.memref_squeeze %dma_wait3A_222 : memref<1x128xi32, #tpu.memory_space<vmem>> -> memref<128xi32, #tpu.memory_space<vmem>>
      %dma_wait3A_224 = arith.constant 0 : i32
      %dma_wait3A_225 = arith.constant 0 : i32
      %dma_wait3A_226 = tpu.memref_slice %arg3[%dma_wait3A_224, %dma_wait3A_225] : memref<50176x16xf32, #tpu.memory_space<hbm>> -> memref<50176x16xf32, #tpu.memory_space<hbm>>
      tpu.wait_indirect_dma semaphore(%arg24 : memref<!tpu.dma_semaphore, #tpu.memory_space<semaphore_mem>>) src(%dma_wait3A_226 : memref<50176x16xf32, #tpu.memory_space<hbm>>) dst(%arg16 : memref<128x16xf32, #tpu.memory_space<vmem>>)
      %dma_start3A_227 = arith.constant 0 : i32
      %dma_start3A_228 = tpu.memref_slice %arg10[%add3A_220, %dma_start3A_227] : memref<200x128xi32, #tpu.memory_space<vmem>> -> memref<1x128xi32, #tpu.memory_space<vmem>>
      %dma_start3A_229 = tpu.memref_squeeze %dma_start3A_228 : memref<1x128xi32, #tpu.memory_space<vmem>> -> memref<128xi32, #tpu.memory_space<vmem>>
      %dma_start3A_230 = arith.constant 0 : i32
      %dma_start3A_231 = arith.constant 0 : i32
      %dma_start3A_232 = tpu.memref_slice %arg8[%dma_start3A_230, %dma_start3A_231] : memref<50176x16xf32, #tpu.memory_space<vmem_shared>> -> memref<50176x16xf32, #tpu.memory_space<vmem_shared>>
      tpu.enqueue_indirect_dma source(%arg16 : memref<128x16xf32, #tpu.memory_space<vmem>>) target(%dma_start3A_232 : memref<50176x16xf32, #tpu.memory_space<vmem_shared>>) offsets(%dma_start3A_229 : memref<128xi32, #tpu.memory_space<vmem>>) semaphore(%arg32 : memref<!tpu.dma_semaphore, #tpu.memory_space<semaphore_mem>>) {add = true}
      %add3A_233 = arith.constant 4 : i32
      %add3A_234 = arith.addi %add3A_220, %add3A_233 : i32
      %lt3A_235 = arith.constant 200 : i32
      %lt3A_236 = arith.cmpi slt, %add3A_234, %lt3A_235 : i32
      %convert_element_type3A_237 = arith.extui %lt3A_236 : i1 to i32
      %cond3A_238 = arith.constant 0 : i32
      %cond3A_239 = arith.cmpi ne, %convert_element_type3A_237, %cond3A_238 : i32
      scf.if %cond3A_239 {
        %ge3A = arith.constant 8 : i32
        %ge3A_286 = arith.cmpi sge, %add3A_234, %ge3A : i32
        %convert_element_type3A_287 = arith.extui %ge3A_286 : i1 to i32
        %cond3A_288 = arith.constant 0 : i32
        %cond3A_289 = arith.cmpi ne, %convert_element_type3A_287, %cond3A_288 : i32
        scf.if %cond3A_289 {
          %sub3A = arith.constant 8 : i32
          %sub3A_296 = arith.subi %add3A_234, %sub3A : i32
          %dma_wait3A_297 = arith.constant 0 : i32
          %dma_wait3A_298 = tpu.memref_slice %arg10[%sub3A_296, %dma_wait3A_297] : memref<200x128xi32, #tpu.memory_space<vmem>> -> memref<1x128xi32, #tpu.memory_space<vmem>>
          %dma_wait3A_299 = tpu.memref_squeeze %dma_wait3A_298 : memref<1x128xi32, #tpu.memory_space<vmem>> -> memref<128xi32, #tpu.memory_space<vmem>>
          %dma_wait3A_300 = arith.constant 0 : i32
          %dma_wait3A_301 = arith.constant 0 : i32
          %dma_wait3A_302 = tpu.memref_slice %arg8[%dma_wait3A_300, %dma_wait3A_301] : memref<50176x16xf32, #tpu.memory_space<vmem_shared>> -> memref<50176x16xf32, #tpu.memory_space<vmem_shared>>
          tpu.wait_indirect_dma semaphore(%arg28 : memref<!tpu.dma_semaphore, #tpu.memory_space<semaphore_mem>>) src(%arg12 : memref<128x16xf32, #tpu.memory_space<vmem>>) dst(%dma_wait3A_302 : memref<50176x16xf32, #tpu.memory_space<vmem_shared>>)
        } else {
        }
        %dma_start3A_290 = arith.constant 0 : i32
        %dma_start3A_291 = tpu.memref_slice %arg9[%add3A_234, %dma_start3A_290] : memref<200x128xi32, #tpu.memory_space<vmem>> -> memref<1x128xi32, #tpu.memory_space<vmem>>
        %dma_start3A_292 = tpu.memref_squeeze %dma_start3A_291 : memref<1x128xi32, #tpu.memory_space<vmem>> -> memref<128xi32, #tpu.memory_space<vmem>>
        %dma_start3A_293 = arith.constant 0 : i32
        %dma_start3A_294 = arith.constant 0 : i32
        %dma_start3A_295 = tpu.memref_slice %arg3[%dma_start3A_293, %dma_start3A_294] : memref<50176x16xf32, #tpu.memory_space<hbm>> -> memref<50176x16xf32, #tpu.memory_space<hbm>>
        tpu.enqueue_indirect_dma source(%dma_start3A_295 : memref<50176x16xf32, #tpu.memory_space<hbm>>) target(%arg12 : memref<128x16xf32, #tpu.memory_space<vmem>>) offsets(%dma_start3A_292 : memref<128xi32, #tpu.memory_space<vmem>>) semaphore(%arg20 : memref<!tpu.dma_semaphore, #tpu.memory_space<semaphore_mem>>)
      } else {
      }
      %mul3A_240 = arith.constant 8 : i32
      %mul3A_241 = arith.muli %scan3A_104, %mul3A_240 : i32
      %add3A_242 = arith.constant 6 : i32
      %add3A_243 = arith.addi %mul3A_241, %add3A_242 : i32
      %dma_wait3A_244 = arith.constant 0 : i32
      %dma_wait3A_245 = tpu.memref_slice %arg9[%add3A_243, %dma_wait3A_244] : memref<200x128xi32, #tpu.memory_space<vmem>> -> memref<1x128xi32, #tpu.memory_space<vmem>>
      %dma_wait3A_246 = tpu.memref_squeeze %dma_wait3A_245 : memref<1x128xi32, #tpu.memory_space<vmem>> -> memref<128xi32, #tpu.memory_space<vmem>>
      %dma_wait3A_247 = arith.constant 0 : i32
      %dma_wait3A_248 = arith.constant 0 : i32
      %dma_wait3A_249 = tpu.memref_slice %arg3[%dma_wait3A_247, %dma_wait3A_248] : memref<50176x16xf32, #tpu.memory_space<hbm>> -> memref<50176x16xf32, #tpu.memory_space<hbm>>
      tpu.wait_indirect_dma semaphore(%arg25 : memref<!tpu.dma_semaphore, #tpu.memory_space<semaphore_mem>>) src(%dma_wait3A_249 : memref<50176x16xf32, #tpu.memory_space<hbm>>) dst(%arg17 : memref<128x16xf32, #tpu.memory_space<vmem>>)
      %dma_start3A_250 = arith.constant 0 : i32
      %dma_start3A_251 = tpu.memref_slice %arg10[%add3A_243, %dma_start3A_250] : memref<200x128xi32, #tpu.memory_space<vmem>> -> memref<1x128xi32, #tpu.memory_space<vmem>>
      %dma_start3A_252 = tpu.memref_squeeze %dma_start3A_251 : memref<1x128xi32, #tpu.memory_space<vmem>> -> memref<128xi32, #tpu.memory_space<vmem>>
      %dma_start3A_253 = arith.constant 0 : i32
      %dma_start3A_254 = arith.constant 0 : i32
      %dma_start3A_255 = tpu.memref_slice %arg8[%dma_start3A_253, %dma_start3A_254] : memref<50176x16xf32, #tpu.memory_space<vmem_shared>> -> memref<50176x16xf32, #tpu.memory_space<vmem_shared>>
      tpu.enqueue_indirect_dma source(%arg17 : memref<128x16xf32, #tpu.memory_space<vmem>>) target(%dma_start3A_255 : memref<50176x16xf32, #tpu.memory_space<vmem_shared>>) offsets(%dma_start3A_252 : memref<128xi32, #tpu.memory_space<vmem>>) semaphore(%arg33 : memref<!tpu.dma_semaphore, #tpu.memory_space<semaphore_mem>>) {add = true}
      %add3A_256 = arith.constant 4 : i32
      %add3A_257 = arith.addi %add3A_243, %add3A_256 : i32
      %lt3A_258 = arith.constant 200 : i32
      %lt3A_259 = arith.cmpi slt, %add3A_257, %lt3A_258 : i32
      %convert_element_type3A_260 = arith.extui %lt3A_259 : i1 to i32
      %cond3A_261 = arith.constant 0 : i32
      %cond3A_262 = arith.cmpi ne, %convert_element_type3A_260, %cond3A_261 : i32
      scf.if %cond3A_262 {
        %ge3A = arith.constant 8 : i32
        %ge3A_286 = arith.cmpi sge, %add3A_257, %ge3A : i32
        %convert_element_type3A_287 = arith.extui %ge3A_286 : i1 to i32
        %cond3A_288 = arith.constant 0 : i32
        %cond3A_289 = arith.cmpi ne, %convert_element_type3A_287, %cond3A_288 : i32
        scf.if %cond3A_289 {
          %sub3A = arith.constant 8 : i32
          %sub3A_296 = arith.subi %add3A_257, %sub3A : i32
          %dma_wait3A_297 = arith.constant 0 : i32
          %dma_wait3A_298 = tpu.memref_slice %arg10[%sub3A_296, %dma_wait3A_297] : memref<200x128xi32, #tpu.memory_space<vmem>> -> memref<1x128xi32, #tpu.memory_space<vmem>>
          %dma_wait3A_299 = tpu.memref_squeeze %dma_wait3A_298 : memref<1x128xi32, #tpu.memory_space<vmem>> -> memref<128xi32, #tpu.memory_space<vmem>>
          %dma_wait3A_300 = arith.constant 0 : i32
          %dma_wait3A_301 = arith.constant 0 : i32
          %dma_wait3A_302 = tpu.memref_slice %arg8[%dma_wait3A_300, %dma_wait3A_301] : memref<50176x16xf32, #tpu.memory_space<vmem_shared>> -> memref<50176x16xf32, #tpu.memory_space<vmem_shared>>
          tpu.wait_indirect_dma semaphore(%arg29 : memref<!tpu.dma_semaphore, #tpu.memory_space<semaphore_mem>>) src(%arg13 : memref<128x16xf32, #tpu.memory_space<vmem>>) dst(%dma_wait3A_302 : memref<50176x16xf32, #tpu.memory_space<vmem_shared>>)
        } else {
        }
        %dma_start3A_290 = arith.constant 0 : i32
        %dma_start3A_291 = tpu.memref_slice %arg9[%add3A_257, %dma_start3A_290] : memref<200x128xi32, #tpu.memory_space<vmem>> -> memref<1x128xi32, #tpu.memory_space<vmem>>
        %dma_start3A_292 = tpu.memref_squeeze %dma_start3A_291 : memref<1x128xi32, #tpu.memory_space<vmem>> -> memref<128xi32, #tpu.memory_space<vmem>>
        %dma_start3A_293 = arith.constant 0 : i32
        %dma_start3A_294 = arith.constant 0 : i32
        %dma_start3A_295 = tpu.memref_slice %arg3[%dma_start3A_293, %dma_start3A_294] : memref<50176x16xf32, #tpu.memory_space<hbm>> -> memref<50176x16xf32, #tpu.memory_space<hbm>>
        tpu.enqueue_indirect_dma source(%dma_start3A_295 : memref<50176x16xf32, #tpu.memory_space<hbm>>) target(%arg13 : memref<128x16xf32, #tpu.memory_space<vmem>>) offsets(%dma_start3A_292 : memref<128xi32, #tpu.memory_space<vmem>>) semaphore(%arg21 : memref<!tpu.dma_semaphore, #tpu.memory_space<semaphore_mem>>)
      } else {
      }
      %mul3A_263 = arith.constant 8 : i32
      %mul3A_264 = arith.muli %scan3A_104, %mul3A_263 : i32
      %add3A_265 = arith.constant 7 : i32
      %add3A_266 = arith.addi %mul3A_264, %add3A_265 : i32
      %dma_wait3A_267 = arith.constant 0 : i32
      %dma_wait3A_268 = tpu.memref_slice %arg9[%add3A_266, %dma_wait3A_267] : memref<200x128xi32, #tpu.memory_space<vmem>> -> memref<1x128xi32, #tpu.memory_space<vmem>>
      %dma_wait3A_269 = tpu.memref_squeeze %dma_wait3A_268 : memref<1x128xi32, #tpu.memory_space<vmem>> -> memref<128xi32, #tpu.memory_space<vmem>>
      %dma_wait3A_270 = arith.constant 0 : i32
      %dma_wait3A_271 = arith.constant 0 : i32
      %dma_wait3A_272 = tpu.memref_slice %arg3[%dma_wait3A_270, %dma_wait3A_271] : memref<50176x16xf32, #tpu.memory_space<hbm>> -> memref<50176x16xf32, #tpu.memory_space<hbm>>
      tpu.wait_indirect_dma semaphore(%arg26 : memref<!tpu.dma_semaphore, #tpu.memory_space<semaphore_mem>>) src(%dma_wait3A_272 : memref<50176x16xf32, #tpu.memory_space<hbm>>) dst(%arg18 : memref<128x16xf32, #tpu.memory_space<vmem>>)
      %dma_start3A_273 = arith.constant 0 : i32
      %dma_start3A_274 = tpu.memref_slice %arg10[%add3A_266, %dma_start3A_273] : memref<200x128xi32, #tpu.memory_space<vmem>> -> memref<1x128xi32, #tpu.memory_space<vmem>>
      %dma_start3A_275 = tpu.memref_squeeze %dma_start3A_274 : memref<1x128xi32, #tpu.memory_space<vmem>> -> memref<128xi32, #tpu.memory_space<vmem>>
      %dma_start3A_276 = arith.constant 0 : i32
      %dma_start3A_277 = arith.constant 0 : i32
      %dma_start3A_278 = tpu.memref_slice %arg8[%dma_start3A_276, %dma_start3A_277] : memref<50176x16xf32, #tpu.memory_space<vmem_shared>> -> memref<50176x16xf32, #tpu.memory_space<vmem_shared>>
      tpu.enqueue_indirect_dma source(%arg18 : memref<128x16xf32, #tpu.memory_space<vmem>>) target(%dma_start3A_278 : memref<50176x16xf32, #tpu.memory_space<vmem_shared>>) offsets(%dma_start3A_275 : memref<128xi32, #tpu.memory_space<vmem>>) semaphore(%arg34 : memref<!tpu.dma_semaphore, #tpu.memory_space<semaphore_mem>>) {add = true}
      %add3A_279 = arith.constant 4 : i32
      %add3A_280 = arith.addi %add3A_266, %add3A_279 : i32
      %lt3A_281 = arith.constant 200 : i32
      %lt3A_282 = arith.cmpi slt, %add3A_280, %lt3A_281 : i32
      %convert_element_type3A_283 = arith.extui %lt3A_282 : i1 to i32
      %cond3A_284 = arith.constant 0 : i32
      %cond3A_285 = arith.cmpi ne, %convert_element_type3A_283, %cond3A_284 : i32
      scf.if %cond3A_285 {
        %ge3A = arith.constant 8 : i32
        %ge3A_286 = arith.cmpi sge, %add3A_280, %ge3A : i32
        %convert_element_type3A_287 = arith.extui %ge3A_286 : i1 to i32
        %cond3A_288 = arith.constant 0 : i32
        %cond3A_289 = arith.cmpi ne, %convert_element_type3A_287, %cond3A_288 : i32
        scf.if %cond3A_289 {
          %sub3A = arith.constant 8 : i32
          %sub3A_296 = arith.subi %add3A_280, %sub3A : i32
          %dma_wait3A_297 = arith.constant 0 : i32
          %dma_wait3A_298 = tpu.memref_slice %arg10[%sub3A_296, %dma_wait3A_297] : memref<200x128xi32, #tpu.memory_space<vmem>> -> memref<1x128xi32, #tpu.memory_space<vmem>>
          %dma_wait3A_299 = tpu.memref_squeeze %dma_wait3A_298 : memref<1x128xi32, #tpu.memory_space<vmem>> -> memref<128xi32, #tpu.memory_space<vmem>>
          %dma_wait3A_300 = arith.constant 0 : i32
          %dma_wait3A_301 = arith.constant 0 : i32
          %dma_wait3A_302 = tpu.memref_slice %arg8[%dma_wait3A_300, %dma_wait3A_301] : memref<50176x16xf32, #tpu.memory_space<vmem_shared>> -> memref<50176x16xf32, #tpu.memory_space<vmem_shared>>
          tpu.wait_indirect_dma semaphore(%arg30 : memref<!tpu.dma_semaphore, #tpu.memory_space<semaphore_mem>>) src(%arg14 : memref<128x16xf32, #tpu.memory_space<vmem>>) dst(%dma_wait3A_302 : memref<50176x16xf32, #tpu.memory_space<vmem_shared>>)
        } else {
        }
        %dma_start3A_290 = arith.constant 0 : i32
        %dma_start3A_291 = tpu.memref_slice %arg9[%add3A_280, %dma_start3A_290] : memref<200x128xi32, #tpu.memory_space<vmem>> -> memref<1x128xi32, #tpu.memory_space<vmem>>
        %dma_start3A_292 = tpu.memref_squeeze %dma_start3A_291 : memref<1x128xi32, #tpu.memory_space<vmem>> -> memref<128xi32, #tpu.memory_space<vmem>>
        %dma_start3A_293 = arith.constant 0 : i32
        %dma_start3A_294 = arith.constant 0 : i32
        %dma_start3A_295 = tpu.memref_slice %arg3[%dma_start3A_293, %dma_start3A_294] : memref<50176x16xf32, #tpu.memory_space<hbm>> -> memref<50176x16xf32, #tpu.memory_space<hbm>>
        tpu.enqueue_indirect_dma source(%dma_start3A_295 : memref<50176x16xf32, #tpu.memory_space<hbm>>) target(%arg14 : memref<128x16xf32, #tpu.memory_space<vmem>>) offsets(%dma_start3A_292 : memref<128xi32, #tpu.memory_space<vmem>>) semaphore(%arg22 : memref<!tpu.dma_semaphore, #tpu.memory_space<semaphore_mem>>)
      } else {
      }
    }
    %scan3A_38 = arith.constant 25 : i32
    %dma_wait3A = arith.constant 192 : i32
    %dma_wait3A_39 = arith.constant 0 : i32
    %dma_wait3A_40 = tpu.memref_slice %arg10[%dma_wait3A, %dma_wait3A_39] : memref<200x128xi32, #tpu.memory_space<vmem>> -> memref<1x128xi32, #tpu.memory_space<vmem>>
    %dma_wait3A_41 = tpu.memref_squeeze %dma_wait3A_40 : memref<1x128xi32, #tpu.memory_space<vmem>> -> memref<128xi32, #tpu.memory_space<vmem>>
    %dma_wait3A_42 = arith.constant 0 : i32
    %dma_wait3A_43 = arith.constant 0 : i32
    %dma_wait3A_44 = tpu.memref_slice %arg8[%dma_wait3A_42, %dma_wait3A_43] : memref<50176x16xf32, #tpu.memory_space<vmem_shared>> -> memref<50176x16xf32, #tpu.memory_space<vmem_shared>>
    tpu.wait_indirect_dma semaphore(%arg27 : memref<!tpu.dma_semaphore, #tpu.memory_space<semaphore_mem>>) src(%arg11 : memref<128x16xf32, #tpu.memory_space<vmem>>) dst(%dma_wait3A_44 : memref<50176x16xf32, #tpu.memory_space<vmem_shared>>)
    %dma_wait3A_45 = arith.constant 193 : i32
    %dma_wait3A_46 = arith.constant 0 : i32
    %dma_wait3A_47 = tpu.memref_slice %arg10[%dma_wait3A_45, %dma_wait3A_46] : memref<200x128xi32, #tpu.memory_space<vmem>> -> memref<1x128xi32, #tpu.memory_space<vmem>>
    %dma_wait3A_48 = tpu.memref_squeeze %dma_wait3A_47 : memref<1x128xi32, #tpu.memory_space<vmem>> -> memref<128xi32, #tpu.memory_space<vmem>>
    %dma_wait3A_49 = arith.constant 0 : i32
    %dma_wait3A_50 = arith.constant 0 : i32
    %dma_wait3A_51 = tpu.memref_slice %arg8[%dma_wait3A_49, %dma_wait3A_50] : memref<50176x16xf32, #tpu.memory_space<vmem_shared>> -> memref<50176x16xf32, #tpu.memory_space<vmem_shared>>
    tpu.wait_indirect_dma semaphore(%arg28 : memref<!tpu.dma_semaphore, #tpu.memory_space<semaphore_mem>>) src(%arg12 : memref<128x16xf32, #tpu.memory_space<vmem>>) dst(%dma_wait3A_51 : memref<50176x16xf32, #tpu.memory_space<vmem_shared>>)
    %dma_wait3A_52 = arith.constant 194 : i32
    %dma_wait3A_53 = arith.constant 0 : i32
    %dma_wait3A_54 = tpu.memref_slice %arg10[%dma_wait3A_52, %dma_wait3A_53] : memref<200x128xi32, #tpu.memory_space<vmem>> -> memref<1x128xi32, #tpu.memory_space<vmem>>
    %dma_wait3A_55 = tpu.memref_squeeze %dma_wait3A_54 : memref<1x128xi32, #tpu.memory_space<vmem>> -> memref<128xi32, #tpu.memory_space<vmem>>
    %dma_wait3A_56 = arith.constant 0 : i32
    %dma_wait3A_57 = arith.constant 0 : i32
    %dma_wait3A_58 = tpu.memref_slice %arg8[%dma_wait3A_56, %dma_wait3A_57] : memref<50176x16xf32, #tpu.memory_space<vmem_shared>> -> memref<50176x16xf32, #tpu.memory_space<vmem_shared>>
    tpu.wait_indirect_dma semaphore(%arg29 : memref<!tpu.dma_semaphore, #tpu.memory_space<semaphore_mem>>) src(%arg13 : memref<128x16xf32, #tpu.memory_space<vmem>>) dst(%dma_wait3A_58 : memref<50176x16xf32, #tpu.memory_space<vmem_shared>>)
    %dma_wait3A_59 = arith.constant 195 : i32
    %dma_wait3A_60 = arith.constant 0 : i32
    %dma_wait3A_61 = tpu.memref_slice %arg10[%dma_wait3A_59, %dma_wait3A_60] : memref<200x128xi32, #tpu.memory_space<vmem>> -> memref<1x128xi32, #tpu.memory_space<vmem>>
    %dma_wait3A_62 = tpu.memref_squeeze %dma_wait3A_61 : memref<1x128xi32, #tpu.memory_space<vmem>> -> memref<128xi32, #tpu.memory_space<vmem>>
    %dma_wait3A_63 = arith.constant 0 : i32
    %dma_wait3A_64 = arith.constant 0 : i32
    %dma_wait3A_65 = tpu.memref_slice %arg8[%dma_wait3A_63, %dma_wait3A_64] : memref<50176x16xf32, #tpu.memory_space<vmem_shared>> -> memref<50176x16xf32, #tpu.memory_space<vmem_shared>>
    tpu.wait_indirect_dma semaphore(%arg30 : memref<!tpu.dma_semaphore, #tpu.memory_space<semaphore_mem>>) src(%arg14 : memref<128x16xf32, #tpu.memory_space<vmem>>) dst(%dma_wait3A_65 : memref<50176x16xf32, #tpu.memory_space<vmem_shared>>)
    %dma_wait3A_66 = arith.constant 196 : i32
    %dma_wait3A_67 = arith.constant 0 : i32
    %dma_wait3A_68 = tpu.memref_slice %arg10[%dma_wait3A_66, %dma_wait3A_67] : memref<200x128xi32, #tpu.memory_space<vmem>> -> memref<1x128xi32, #tpu.memory_space<vmem>>
    %dma_wait3A_69 = tpu.memref_squeeze %dma_wait3A_68 : memref<1x128xi32, #tpu.memory_space<vmem>> -> memref<128xi32, #tpu.memory_space<vmem>>
    %dma_wait3A_70 = arith.constant 0 : i32
    %dma_wait3A_71 = arith.constant 0 : i32
    %dma_wait3A_72 = tpu.memref_slice %arg8[%dma_wait3A_70, %dma_wait3A_71] : memref<50176x16xf32, #tpu.memory_space<vmem_shared>> -> memref<50176x16xf32, #tpu.memory_space<vmem_shared>>
    tpu.wait_indirect_dma semaphore(%arg31 : memref<!tpu.dma_semaphore, #tpu.memory_space<semaphore_mem>>) src(%arg15 : memref<128x16xf32, #tpu.memory_space<vmem>>) dst(%dma_wait3A_72 : memref<50176x16xf32, #tpu.memory_space<vmem_shared>>)
    %dma_wait3A_73 = arith.constant 197 : i32
    %dma_wait3A_74 = arith.constant 0 : i32
    %dma_wait3A_75 = tpu.memref_slice %arg10[%dma_wait3A_73, %dma_wait3A_74] : memref<200x128xi32, #tpu.memory_space<vmem>> -> memref<1x128xi32, #tpu.memory_space<vmem>>
    %dma_wait3A_76 = tpu.memref_squeeze %dma_wait3A_75 : memref<1x128xi32, #tpu.memory_space<vmem>> -> memref<128xi32, #tpu.memory_space<vmem>>
    %dma_wait3A_77 = arith.constant 0 : i32
    %dma_wait3A_78 = arith.constant 0 : i32
    %dma_wait3A_79 = tpu.memref_slice %arg8[%dma_wait3A_77, %dma_wait3A_78] : memref<50176x16xf32, #tpu.memory_space<vmem_shared>> -> memref<50176x16xf32, #tpu.memory_space<vmem_shared>>
    tpu.wait_indirect_dma semaphore(%arg32 : memref<!tpu.dma_semaphore, #tpu.memory_space<semaphore_mem>>) src(%arg16 : memref<128x16xf32, #tpu.memory_space<vmem>>) dst(%dma_wait3A_79 : memref<50176x16xf32, #tpu.memory_space<vmem_shared>>)
    %dma_wait3A_80 = arith.constant 198 : i32
    %dma_wait3A_81 = arith.constant 0 : i32
    %dma_wait3A_82 = tpu.memref_slice %arg10[%dma_wait3A_80, %dma_wait3A_81] : memref<200x128xi32, #tpu.memory_space<vmem>> -> memref<1x128xi32, #tpu.memory_space<vmem>>
    %dma_wait3A_83 = tpu.memref_squeeze %dma_wait3A_82 : memref<1x128xi32, #tpu.memory_space<vmem>> -> memref<128xi32, #tpu.memory_space<vmem>>
    %dma_wait3A_84 = arith.constant 0 : i32
    %dma_wait3A_85 = arith.constant 0 : i32
    %dma_wait3A_86 = tpu.memref_slice %arg8[%dma_wait3A_84, %dma_wait3A_85] : memref<50176x16xf32, #tpu.memory_space<vmem_shared>> -> memref<50176x16xf32, #tpu.memory_space<vmem_shared>>
    tpu.wait_indirect_dma semaphore(%arg33 : memref<!tpu.dma_semaphore, #tpu.memory_space<semaphore_mem>>) src(%arg17 : memref<128x16xf32, #tpu.memory_space<vmem>>) dst(%dma_wait3A_86 : memref<50176x16xf32, #tpu.memory_space<vmem_shared>>)
    %dma_wait3A_87 = arith.constant 199 : i32
    %dma_wait3A_88 = arith.constant 0 : i32
    %dma_wait3A_89 = tpu.memref_slice %arg10[%dma_wait3A_87, %dma_wait3A_88] : memref<200x128xi32, #tpu.memory_space<vmem>> -> memref<1x128xi32, #tpu.memory_space<vmem>>
    %dma_wait3A_90 = tpu.memref_squeeze %dma_wait3A_89 : memref<1x128xi32, #tpu.memory_space<vmem>> -> memref<128xi32, #tpu.memory_space<vmem>>
    %dma_wait3A_91 = arith.constant 0 : i32
    %dma_wait3A_92 = arith.constant 0 : i32
    %dma_wait3A_93 = tpu.memref_slice %arg8[%dma_wait3A_91, %dma_wait3A_92] : memref<50176x16xf32, #tpu.memory_space<vmem_shared>> -> memref<50176x16xf32, #tpu.memory_space<vmem_shared>>
    tpu.wait_indirect_dma semaphore(%arg34 : memref<!tpu.dma_semaphore, #tpu.memory_space<semaphore_mem>>) src(%arg18 : memref<128x16xf32, #tpu.memory_space<vmem>>) dst(%dma_wait3A_93 : memref<50176x16xf32, #tpu.memory_space<vmem_shared>>)
    %barrier3A_94 = arith.constant 0 : index
    tpu.barrier barrier_id(%barrier3A_94)
    %broadcast_in_dim3A = arith.constant 0.000000e+00 : f32
    %broadcast_in_dim3A_95 = vector.broadcast %broadcast_in_dim3A : f32 to vector<16xf32>
    %eq3A = arith.constant 0 : i32
    %eq3A_96 = arith.cmpi eq, %arg0, %eq3A : i32
    %get3A = arith.constant 0 : index
    %get3A_97 = tpu.vector_load %arg38[%get3A] {strides = array<i32>} : memref<16xf32, #tpu.memory_space<vmem>>, vector<16xf32>,
    %select_n3A = arith.select %eq3A_96, %get3A_97, %broadcast_in_dim3A_95 : vector<16xf32>
    %scan3A_98 = arith.constant 0 : i32
    %scan3A_99 = arith.constant 0 : i32
    %scan3A_100 = arith.constant 28 : i32
    %scan3A_101 = arith.addi %scan3A_99, %scan3A_100 : i32
    %scan3A_102 = arith.constant 1 : i32
    scf.for %scan3A_104 = %scan3A_99 to %scan3A_101 step %scan3A_102  : i32 {
      %mul3A_105 = arith.constant 112 : i32
      %mul3A_106 = arith.muli %scan3A_104, %mul3A_105 : i32
      %add3A_107 = arith.addi %multiple_of3A, %mul3A_106 : i32
      "tpu.region"() ({
        %run_scoped3A_117 = tpu.sem_alloc : memref<!tpu.dma_semaphore, #tpu.memory_space<semaphore_mem>>
        %dma_start3A_118 = arith.constant 0 : i32
        %dma_start3A_119 = tpu.memref_slice %arg8[%add3A_107, %dma_start3A_118] : memref<50176x16xf32, #tpu.memory_space<vmem_shared>> -> memref<112x16xf32, #tpu.memory_space<vmem_shared>>
        %dma_start3A_120 = arith.constant 0 : i32
        %dma_start3A_121 = tpu.memref_slice %arg8[%add3A_107, %dma_start3A_120] : memref<50176x16xf32, #tpu.memory_space<vmem_shared>> -> memref<112x16xf32, #tpu.memory_space<vmem_shared>>
        tpu.enqueue_dma source(%dma_start3A_121 : memref<112x16xf32, #tpu.memory_space<vmem_shared>>) target(%arg35 : memref<112x16xf32, #tpu.memory_space<vmem>>) target_semaphore(%run_scoped3A_117 : memref<!tpu.dma_semaphore, #tpu.memory_space<semaphore_mem>>)
        %dma_wait3A_122 = arith.constant 0 : i32
        %dma_wait3A_123 = tpu.memref_slice %arg8[%add3A_107, %dma_wait3A_122] : memref<50176x16xf32, #tpu.memory_space<vmem_shared>> -> memref<112x16xf32, #tpu.memory_space<vmem_shared>>
        %dma_wait3A_124 = arith.constant 0 : i32
        %dma_wait3A_125 = tpu.memref_slice %arg8[%add3A_107, %dma_wait3A_124] : memref<50176x16xf32, #tpu.memory_space<vmem_shared>> -> memref<112x16xf32, #tpu.memory_space<vmem_shared>>
        tpu.wait_dma2 semaphore(%run_scoped3A_117 : memref<!tpu.dma_semaphore, #tpu.memory_space<semaphore_mem>>) src(%dma_wait3A_125 : memref<112x16xf32, #tpu.memory_space<vmem_shared>>) dst(%arg35 : memref<112x16xf32, #tpu.memory_space<vmem>>)
        tpu.yield
      }) : () -> ()
      "tpu.region"() ({
        %run_scoped3A_117 = tpu.sem_alloc : memref<!tpu.dma_semaphore, #tpu.memory_space<semaphore_mem>>
        %dma_start3A_118 = tpu.memref_slice %arg4[%add3A_107] : memref<50176xf32, #tpu.memory_space<hbm>> -> memref<112xf32, #tpu.memory_space<hbm>>
        %dma_start3A_119 = tpu.memref_slice %arg4[%add3A_107] : memref<50176xf32, #tpu.memory_space<hbm>> -> memref<112xf32, #tpu.memory_space<hbm>>
        tpu.enqueue_dma source(%dma_start3A_119 : memref<112xf32, #tpu.memory_space<hbm>>) target(%arg37 : memref<112xf32, #tpu.memory_space<vmem>>) target_semaphore(%run_scoped3A_117 : memref<!tpu.dma_semaphore, #tpu.memory_space<semaphore_mem>>)
        %dma_wait3A_120 = tpu.memref_slice %arg4[%add3A_107] : memref<50176xf32, #tpu.memory_space<hbm>> -> memref<112xf32, #tpu.memory_space<hbm>>
        %dma_wait3A_121 = tpu.memref_slice %arg4[%add3A_107] : memref<50176xf32, #tpu.memory_space<hbm>> -> memref<112xf32, #tpu.memory_space<hbm>>
        tpu.wait_dma2 semaphore(%run_scoped3A_117 : memref<!tpu.dma_semaphore, #tpu.memory_space<semaphore_mem>>) src(%dma_wait3A_121 : memref<112xf32, #tpu.memory_space<hbm>>) dst(%arg37 : memref<112xf32, #tpu.memory_space<vmem>>)
        tpu.yield
      }) : () -> ()
      %eq3A_108 = arith.constant 0 : i32
      %eq3A_109 = arith.cmpi eq, %arg0, %eq3A_108 : i32
      %convert_element_type3A = arith.extui %eq3A_109 : i1 to i32
      %cond3A = arith.constant 0 : i32
      %cond3A_110 = arith.cmpi ne, %convert_element_type3A, %cond3A : i32
      scf.if %cond3A_110 {
        "tpu.region"() ({
          %run_scoped3A_123 = tpu.sem_alloc : memref<!tpu.dma_semaphore, #tpu.memory_space<semaphore_mem>>
          %dma_start3A_124 = arith.constant 0 : i32
          %dma_start3A_125 = tpu.memref_slice %arg3[%add3A_107, %dma_start3A_124] : memref<50176x16xf32, #tpu.memory_space<hbm>> -> memref<112x16xf32, #tpu.memory_space<hbm>>
          %dma_start3A_126 = arith.constant 0 : i32
          %dma_start3A_127 = tpu.memref_slice %arg3[%add3A_107, %dma_start3A_126] : memref<50176x16xf32, #tpu.memory_space<hbm>> -> memref<112x16xf32, #tpu.memory_space<hbm>>
          tpu.enqueue_dma source(%dma_start3A_127 : memref<112x16xf32, #tpu.memory_space<hbm>>) target(%arg36 : memref<112x16xf32, #tpu.memory_space<vmem>>) target_semaphore(%run_scoped3A_123 : memref<!tpu.dma_semaphore, #tpu.memory_space<semaphore_mem>>)
          %dma_wait3A_128 = arith.constant 0 : i32
          %dma_wait3A_129 = tpu.memref_slice %arg3[%add3A_107, %dma_wait3A_128] : memref<50176x16xf32, #tpu.memory_space<hbm>> -> memref<112x16xf32, #tpu.memory_space<hbm>>
          %dma_wait3A_130 = arith.constant 0 : i32
          %dma_wait3A_131 = tpu.memref_slice %arg3[%add3A_107, %dma_wait3A_130] : memref<50176x16xf32, #tpu.memory_space<hbm>> -> memref<112x16xf32, #tpu.memory_space<hbm>>
          tpu.wait_dma2 semaphore(%run_scoped3A_123 : memref<!tpu.dma_semaphore, #tpu.memory_space<semaphore_mem>>) src(%dma_wait3A_131 : memref<112x16xf32, #tpu.memory_space<hbm>>) dst(%arg36 : memref<112x16xf32, #tpu.memory_space<vmem>>)
          tpu.yield
        }) : () -> ()
        %scan3A_117 = arith.constant 0 : i32
        %scan3A_118 = arith.constant 0 : i32
        %scan3A_119 = arith.constant 112 : i32
        %scan3A_120 = arith.addi %scan3A_118, %scan3A_119 : i32
        %scan3A_121 = arith.constant 1 : i32
        scf.for %scan3A_123 = %scan3A_118 to %scan3A_120 step %scan3A_121  : i32 {
          %get3A_124 = arith.index_cast %scan3A_123 : i32 to index
          %get3A_125 = arith.constant 0 : index
          %get3A_126 = tpu.vector_load %arg35[%get3A_124, %get3A_125] {strides = array<i32>} : memref<112x16xf32, #tpu.memory_space<vmem>>, vector<16xf32>,
          %get3A_127 = arith.index_cast %scan3A_123 : i32 to index
          %get3A_128 = arith.constant 0 : index
          %get3A_129 = tpu.vector_load %arg36[%get3A_127, %get3A_128] {strides = array<i32>} : memref<112x16xf32, #tpu.memory_space<vmem>>, vector<16xf32>,
          %add3A_130 = arith.addf %get3A_126, %get3A_129 : vector<16xf32>
          %swap3A = arith.index_cast %scan3A_123 : i32 to index
          %swap3A_131 = arith.constant 0 : index
          %swap3A_132 = tpu.vector_load %arg35[%swap3A, %swap3A_131] {strides = array<i32>} : memref<112x16xf32, #tpu.memory_space<vmem>>, vector<16xf32>,
          tpu.vector_store %arg35[%swap3A, %swap3A_131], %add3A_130 {strides = array<i32>} : memref<112x16xf32, #tpu.memory_space<vmem>>, vector<16xf32>,
        }
        %scan3A_122 = arith.constant 112 : i32
      } else {
      }
      %scan3A_111 = arith.constant 0 : i32
      %scan3A_112 = arith.constant 0 : i32
      %scan3A_113 = arith.constant 7 : i32
      %scan3A_114 = arith.addi %scan3A_112, %scan3A_113 : i32
      %scan3A_115 = arith.constant 1 : i32
      scf.for %scan3A_117 = %scan3A_112 to %scan3A_114 step %scan3A_115  : i32 {
        %mul3A_118 = arith.constant 16 : i32
        %mul3A_119 = arith.muli %scan3A_117, %mul3A_118 : i32
        %get3A_120 = arith.index_cast %mul3A_119 : i32 to index
        %get3A_121 = tpu.vector_load %arg37[%get3A_120] {strides = array<i32>} : memref<112xf32, #tpu.memory_space<vmem>>, vector<16xf32>,
        %mul3A_122 = arith.constant 16 : i32
        %mul3A_123 = arith.muli %scan3A_117, %mul3A_122 : i32
        %add3A_124 = arith.constant 0 : i32
        %add3A_125 = arith.addi %mul3A_123, %add3A_124 : i32
        %slice3A = vector.extract_strided_slice %get3A_121 {offsets = [0], sizes = [1], strides = [1]} : vector<16xf32> to vector<1xf32>
        %squeeze3A = vector.extract %slice3A[0] : f32 from vector<1xf32>
        %get3A_126 = arith.index_cast %add3A_125 : i32 to index
        %get3A_127 = arith.constant 0 : index
        %get3A_128 = tpu.vector_load %arg35[%get3A_126, %get3A_127] {strides = array<i32>} : memref<112x16xf32, #tpu.memory_space<vmem>>, vector<16xf32>,
        %mul3A_129 = vector.broadcast %squeeze3A : f32 to vector<16xf32>
        %mul3A_130 = arith.mulf %mul3A_129, %get3A_128 : vector<16xf32>
        %add3A_131 = arith.addf %mul3A_130, %select_n3A : vector<16xf32>
        %swap3A = arith.index_cast %add3A_125 : i32 to index
        %swap3A_132 = arith.constant 0 : index
        %swap3A_133 = tpu.vector_load %arg35[%swap3A, %swap3A_132] {strides = array<i32>} : memref<112x16xf32, #tpu.memory_space<vmem>>, vector<16xf32>,
        tpu.vector_store %arg35[%swap3A, %swap3A_132], %add3A_131 {strides = array<i32>} : memref<112x16xf32, #tpu.memory_space<vmem>>, vector<16xf32>,
        %mul3A_134 = arith.constant 16 : i32
        %mul3A_135 = arith.muli %scan3A_117, %mul3A_134 : i32
        %add3A_136 = arith.constant 1 : i32
        %add3A_137 = arith.addi %mul3A_135, %add3A_136 : i32
        %slice3A_138 = vector.extract_strided_slice %get3A_121 {offsets = [1], sizes = [1], strides = [1]} : vector<16xf32> to vector<1xf32>
        %squeeze3A_139 = vector.extract %slice3A_138[0] : f32 from vector<1xf32>
        %get3A_140 = arith.index_cast %add3A_137 : i32 to index
        %get3A_141 = arith.constant 0 : index
        %get3A_142 = tpu.vector_load %arg35[%get3A_140, %get3A_141] {strides = array<i32>} : memref<112x16xf32, #tpu.memory_space<vmem>>, vector<16xf32>,
        %mul3A_143 = vector.broadcast %squeeze3A_139 : f32 to vector<16xf32>
        %mul3A_144 = arith.mulf %mul3A_143, %get3A_142 : vector<16xf32>
        %add3A_145 = arith.addf %mul3A_144, %select_n3A : vector<16xf32>
        %swap3A_146 = arith.index_cast %add3A_137 : i32 to index
        %swap3A_147 = arith.constant 0 : index
        %swap3A_148 = tpu.vector_load %arg35[%swap3A_146, %swap3A_147] {strides = array<i32>} : memref<112x16xf32, #tpu.memory_space<vmem>>, vector<16xf32>,
        tpu.vector_store %arg35[%swap3A_146, %swap3A_147], %add3A_145 {strides = array<i32>} : memref<112x16xf32, #tpu.memory_space<vmem>>, vector<16xf32>,
        %mul3A_149 = arith.constant 16 : i32
        %mul3A_150 = arith.muli %scan3A_117, %mul3A_149 : i32
        %add3A_151 = arith.constant 2 : i32
        %add3A_152 = arith.addi %mul3A_150, %add3A_151 : i32
        %slice3A_153 = vector.extract_strided_slice %get3A_121 {offsets = [2], sizes = [1], strides = [1]} : vector<16xf32> to vector<1xf32>
        %squeeze3A_154 = vector.extract %slice3A_153[0] : f32 from vector<1xf32>
        %get3A_155 = arith.index_cast %add3A_152 : i32 to index
        %get3A_156 = arith.constant 0 : index
        %get3A_157 = tpu.vector_load %arg35[%get3A_155, %get3A_156] {strides = array<i32>} : memref<112x16xf32, #tpu.memory_space<vmem>>, vector<16xf32>,
        %mul3A_158 = vector.broadcast %squeeze3A_154 : f32 to vector<16xf32>
        %mul3A_159 = arith.mulf %mul3A_158, %get3A_157 : vector<16xf32>
        %add3A_160 = arith.addf %mul3A_159, %select_n3A : vector<16xf32>
        %swap3A_161 = arith.index_cast %add3A_152 : i32 to index
        %swap3A_162 = arith.constant 0 : index
        %swap3A_163 = tpu.vector_load %arg35[%swap3A_161, %swap3A_162] {strides = array<i32>} : memref<112x16xf32, #tpu.memory_space<vmem>>, vector<16xf32>,
        tpu.vector_store %arg35[%swap3A_161, %swap3A_162], %add3A_160 {strides = array<i32>} : memref<112x16xf32, #tpu.memory_space<vmem>>, vector<16xf32>,
        %mul3A_164 = arith.constant 16 : i32
        %mul3A_165 = arith.muli %scan3A_117, %mul3A_164 : i32
        %add3A_166 = arith.constant 3 : i32
        %add3A_167 = arith.addi %mul3A_165, %add3A_166 : i32
        %slice3A_168 = vector.extract_strided_slice %get3A_121 {offsets = [3], sizes = [1], strides = [1]} : vector<16xf32> to vector<1xf32>
        %squeeze3A_169 = vector.extract %slice3A_168[0] : f32 from vector<1xf32>
        %get3A_170 = arith.index_cast %add3A_167 : i32 to index
        %get3A_171 = arith.constant 0 : index
        %get3A_172 = tpu.vector_load %arg35[%get3A_170, %get3A_171] {strides = array<i32>} : memref<112x16xf32, #tpu.memory_space<vmem>>, vector<16xf32>,
        %mul3A_173 = vector.broadcast %squeeze3A_169 : f32 to vector<16xf32>
        %mul3A_174 = arith.mulf %mul3A_173, %get3A_172 : vector<16xf32>
        %add3A_175 = arith.addf %mul3A_174, %select_n3A : vector<16xf32>
        %swap3A_176 = arith.index_cast %add3A_167 : i32 to index
        %swap3A_177 = arith.constant 0 : index
        %swap3A_178 = tpu.vector_load %arg35[%swap3A_176, %swap3A_177] {strides = array<i32>} : memref<112x16xf32, #tpu.memory_space<vmem>>, vector<16xf32>,
        tpu.vector_store %arg35[%swap3A_176, %swap3A_177], %add3A_175 {strides = array<i32>} : memref<112x16xf32, #tpu.memory_space<vmem>>, vector<16xf32>,
        %mul3A_179 = arith.constant 16 : i32
        %mul3A_180 = arith.muli %scan3A_117, %mul3A_179 : i32
        %add3A_181 = arith.constant 4 : i32
        %add3A_182 = arith.addi %mul3A_180, %add3A_181 : i32
        %slice3A_183 = vector.extract_strided_slice %get3A_121 {offsets = [4], sizes = [1], strides = [1]} : vector<16xf32> to vector<1xf32>
        %squeeze3A_184 = vector.extract %slice3A_183[0] : f32 from vector<1xf32>
        %get3A_185 = arith.index_cast %add3A_182 : i32 to index
        %get3A_186 = arith.constant 0 : index
        %get3A_187 = tpu.vector_load %arg35[%get3A_185, %get3A_186] {strides = array<i32>} : memref<112x16xf32, #tpu.memory_space<vmem>>, vector<16xf32>,
        %mul3A_188 = vector.broadcast %squeeze3A_184 : f32 to vector<16xf32>
        %mul3A_189 = arith.mulf %mul3A_188, %get3A_187 : vector<16xf32>
        %add3A_190 = arith.addf %mul3A_189, %select_n3A : vector<16xf32>
        %swap3A_191 = arith.index_cast %add3A_182 : i32 to index
        %swap3A_192 = arith.constant 0 : index
        %swap3A_193 = tpu.vector_load %arg35[%swap3A_191, %swap3A_192] {strides = array<i32>} : memref<112x16xf32, #tpu.memory_space<vmem>>, vector<16xf32>,
        tpu.vector_store %arg35[%swap3A_191, %swap3A_192], %add3A_190 {strides = array<i32>} : memref<112x16xf32, #tpu.memory_space<vmem>>, vector<16xf32>,
        %mul3A_194 = arith.constant 16 : i32
        %mul3A_195 = arith.muli %scan3A_117, %mul3A_194 : i32
        %add3A_196 = arith.constant 5 : i32
        %add3A_197 = arith.addi %mul3A_195, %add3A_196 : i32
        %slice3A_198 = vector.extract_strided_slice %get3A_121 {offsets = [5], sizes = [1], strides = [1]} : vector<16xf32> to vector<1xf32>
        %squeeze3A_199 = vector.extract %slice3A_198[0] : f32 from vector<1xf32>
        %get3A_200 = arith.index_cast %add3A_197 : i32 to index
        %get3A_201 = arith.constant 0 : index
        %get3A_202 = tpu.vector_load %arg35[%get3A_200, %get3A_201] {strides = array<i32>} : memref<112x16xf32, #tpu.memory_space<vmem>>, vector<16xf32>,
        %mul3A_203 = vector.broadcast %squeeze3A_199 : f32 to vector<16xf32>
        %mul3A_204 = arith.mulf %mul3A_203, %get3A_202 : vector<16xf32>
        %add3A_205 = arith.addf %mul3A_204, %select_n3A : vector<16xf32>
        %swap3A_206 = arith.index_cast %add3A_197 : i32 to index
        %swap3A_207 = arith.constant 0 : index
        %swap3A_208 = tpu.vector_load %arg35[%swap3A_206, %swap3A_207] {strides = array<i32>} : memref<112x16xf32, #tpu.memory_space<vmem>>, vector<16xf32>,
        tpu.vector_store %arg35[%swap3A_206, %swap3A_207], %add3A_205 {strides = array<i32>} : memref<112x16xf32, #tpu.memory_space<vmem>>, vector<16xf32>,
        %mul3A_209 = arith.constant 16 : i32
        %mul3A_210 = arith.muli %scan3A_117, %mul3A_209 : i32
        %add3A_211 = arith.constant 6 : i32
        %add3A_212 = arith.addi %mul3A_210, %add3A_211 : i32
        %slice3A_213 = vector.extract_strided_slice %get3A_121 {offsets = [6], sizes = [1], strides = [1]} : vector<16xf32> to vector<1xf32>
        %squeeze3A_214 = vector.extract %slice3A_213[0] : f32 from vector<1xf32>
        %get3A_215 = arith.index_cast %add3A_212 : i32 to index
        %get3A_216 = arith.constant 0 : index
        %get3A_217 = tpu.vector_load %arg35[%get3A_215, %get3A_216] {strides = array<i32>} : memref<112x16xf32, #tpu.memory_space<vmem>>, vector<16xf32>,
        %mul3A_218 = vector.broadcast %squeeze3A_214 : f32 to vector<16xf32>
        %mul3A_219 = arith.mulf %mul3A_218, %get3A_217 : vector<16xf32>
        %add3A_220 = arith.addf %mul3A_219, %select_n3A : vector<16xf32>
        %swap3A_221 = arith.index_cast %add3A_212 : i32 to index
        %swap3A_222 = arith.constant 0 : index
        %swap3A_223 = tpu.vector_load %arg35[%swap3A_221, %swap3A_222] {strides = array<i32>} : memref<112x16xf32, #tpu.memory_space<vmem>>, vector<16xf32>,
        tpu.vector_store %arg35[%swap3A_221, %swap3A_222], %add3A_220 {strides = array<i32>} : memref<112x16xf32, #tpu.memory_space<vmem>>, vector<16xf32>,
        %mul3A_224 = arith.constant 16 : i32
        %mul3A_225 = arith.muli %scan3A_117, %mul3A_224 : i32
        %add3A_226 = arith.constant 7 : i32
        %add3A_227 = arith.addi %mul3A_225, %add3A_226 : i32
        %slice3A_228 = vector.extract_strided_slice %get3A_121 {offsets = [7], sizes = [1], strides = [1]} : vector<16xf32> to vector<1xf32>
        %squeeze3A_229 = vector.extract %slice3A_228[0] : f32 from vector<1xf32>
        %get3A_230 = arith.index_cast %add3A_227 : i32 to index
        %get3A_231 = arith.constant 0 : index
        %get3A_232 = tpu.vector_load %arg35[%get3A_230, %get3A_231] {strides = array<i32>} : memref<112x16xf32, #tpu.memory_space<vmem>>, vector<16xf32>,
        %mul3A_233 = vector.broadcast %squeeze3A_229 : f32 to vector<16xf32>
        %mul3A_234 = arith.mulf %mul3A_233, %get3A_232 : vector<16xf32>
        %add3A_235 = arith.addf %mul3A_234, %select_n3A : vector<16xf32>
        %swap3A_236 = arith.index_cast %add3A_227 : i32 to index
        %swap3A_237 = arith.constant 0 : index
        %swap3A_238 = tpu.vector_load %arg35[%swap3A_236, %swap3A_237] {strides = array<i32>} : memref<112x16xf32, #tpu.memory_space<vmem>>, vector<16xf32>,
        tpu.vector_store %arg35[%swap3A_236, %swap3A_237], %add3A_235 {strides = array<i32>} : memref<112x16xf32, #tpu.memory_space<vmem>>, vector<16xf32>,
        %mul3A_239 = arith.constant 16 : i32
        %mul3A_240 = arith.muli %scan3A_117, %mul3A_239 : i32
        %add3A_241 = arith.constant 8 : i32
        %add3A_242 = arith.addi %mul3A_240, %add3A_241 : i32
        %slice3A_243 = vector.extract_strided_slice %get3A_121 {offsets = [8], sizes = [1], strides = [1]} : vector<16xf32> to vector<1xf32>
        %squeeze3A_244 = vector.extract %slice3A_243[0] : f32 from vector<1xf32>
        %get3A_245 = arith.index_cast %add3A_242 : i32 to index
        %get3A_246 = arith.constant 0 : index
        %get3A_247 = tpu.vector_load %arg35[%get3A_245, %get3A_246] {strides = array<i32>} : memref<112x16xf32, #tpu.memory_space<vmem>>, vector<16xf32>,
        %mul3A_248 = vector.broadcast %squeeze3A_244 : f32 to vector<16xf32>
        %mul3A_249 = arith.mulf %mul3A_248, %get3A_247 : vector<16xf32>
        %add3A_250 = arith.addf %mul3A_249, %select_n3A : vector<16xf32>
        %swap3A_251 = arith.index_cast %add3A_242 : i32 to index
        %swap3A_252 = arith.constant 0 : index
        %swap3A_253 = tpu.vector_load %arg35[%swap3A_251, %swap3A_252] {strides = array<i32>} : memref<112x16xf32, #tpu.memory_space<vmem>>, vector<16xf32>,
        tpu.vector_store %arg35[%swap3A_251, %swap3A_252], %add3A_250 {strides = array<i32>} : memref<112x16xf32, #tpu.memory_space<vmem>>, vector<16xf32>,
        %mul3A_254 = arith.constant 16 : i32
        %mul3A_255 = arith.muli %scan3A_117, %mul3A_254 : i32
        %add3A_256 = arith.constant 9 : i32
        %add3A_257 = arith.addi %mul3A_255, %add3A_256 : i32
        %slice3A_258 = vector.extract_strided_slice %get3A_121 {offsets = [9], sizes = [1], strides = [1]} : vector<16xf32> to vector<1xf32>
        %squeeze3A_259 = vector.extract %slice3A_258[0] : f32 from vector<1xf32>
        %get3A_260 = arith.index_cast %add3A_257 : i32 to index
        %get3A_261 = arith.constant 0 : index
        %get3A_262 = tpu.vector_load %arg35[%get3A_260, %get3A_261] {strides = array<i32>} : memref<112x16xf32, #tpu.memory_space<vmem>>, vector<16xf32>,
        %mul3A_263 = vector.broadcast %squeeze3A_259 : f32 to vector<16xf32>
        %mul3A_264 = arith.mulf %mul3A_263, %get3A_262 : vector<16xf32>
        %add3A_265 = arith.addf %mul3A_264, %select_n3A : vector<16xf32>
        %swap3A_266 = arith.index_cast %add3A_257 : i32 to index
        %swap3A_267 = arith.constant 0 : index
        %swap3A_268 = tpu.vector_load %arg35[%swap3A_266, %swap3A_267] {strides = array<i32>} : memref<112x16xf32, #tpu.memory_space<vmem>>, vector<16xf32>,
        tpu.vector_store %arg35[%swap3A_266, %swap3A_267], %add3A_265 {strides = array<i32>} : memref<112x16xf32, #tpu.memory_space<vmem>>, vector<16xf32>,
        %mul3A_269 = arith.constant 16 : i32
        %mul3A_270 = arith.muli %scan3A_117, %mul3A_269 : i32
        %add3A_271 = arith.constant 10 : i32
        %add3A_272 = arith.addi %mul3A_270, %add3A_271 : i32
        %slice3A_273 = vector.extract_strided_slice %get3A_121 {offsets = [10], sizes = [1], strides = [1]} : vector<16xf32> to vector<1xf32>
        %squeeze3A_274 = vector.extract %slice3A_273[0] : f32 from vector<1xf32>
        %get3A_275 = arith.index_cast %add3A_272 : i32 to index
        %get3A_276 = arith.constant 0 : index
        %get3A_277 = tpu.vector_load %arg35[%get3A_275, %get3A_276] {strides = array<i32>} : memref<112x16xf32, #tpu.memory_space<vmem>>, vector<16xf32>,
        %mul3A_278 = vector.broadcast %squeeze3A_274 : f32 to vector<16xf32>
        %mul3A_279 = arith.mulf %mul3A_278, %get3A_277 : vector<16xf32>
        %add3A_280 = arith.addf %mul3A_279, %select_n3A : vector<16xf32>
        %swap3A_281 = arith.index_cast %add3A_272 : i32 to index
        %swap3A_282 = arith.constant 0 : index
        %swap3A_283 = tpu.vector_load %arg35[%swap3A_281, %swap3A_282] {strides = array<i32>} : memref<112x16xf32, #tpu.memory_space<vmem>>, vector<16xf32>,
        tpu.vector_store %arg35[%swap3A_281, %swap3A_282], %add3A_280 {strides = array<i32>} : memref<112x16xf32, #tpu.memory_space<vmem>>, vector<16xf32>,
        %mul3A_284 = arith.constant 16 : i32
        %mul3A_285 = arith.muli %scan3A_117, %mul3A_284 : i32
        %add3A_286 = arith.constant 11 : i32
        %add3A_287 = arith.addi %mul3A_285, %add3A_286 : i32
        %slice3A_288 = vector.extract_strided_slice %get3A_121 {offsets = [11], sizes = [1], strides = [1]} : vector<16xf32> to vector<1xf32>
        %squeeze3A_289 = vector.extract %slice3A_288[0] : f32 from vector<1xf32>
        %get3A_290 = arith.index_cast %add3A_287 : i32 to index
        %get3A_291 = arith.constant 0 : index
        %get3A_292 = tpu.vector_load %arg35[%get3A_290, %get3A_291] {strides = array<i32>} : memref<112x16xf32, #tpu.memory_space<vmem>>, vector<16xf32>,
        %mul3A_293 = vector.broadcast %squeeze3A_289 : f32 to vector<16xf32>
        %mul3A_294 = arith.mulf %mul3A_293, %get3A_292 : vector<16xf32>
        %add3A_295 = arith.addf %mul3A_294, %select_n3A : vector<16xf32>
        %swap3A_296 = arith.index_cast %add3A_287 : i32 to index
        %swap3A_297 = arith.constant 0 : index
        %swap3A_298 = tpu.vector_load %arg35[%swap3A_296, %swap3A_297] {strides = array<i32>} : memref<112x16xf32, #tpu.memory_space<vmem>>, vector<16xf32>,
        tpu.vector_store %arg35[%swap3A_296, %swap3A_297], %add3A_295 {strides = array<i32>} : memref<112x16xf32, #tpu.memory_space<vmem>>, vector<16xf32>,
        %mul3A_299 = arith.constant 16 : i32
        %mul3A_300 = arith.muli %scan3A_117, %mul3A_299 : i32
        %add3A_301 = arith.constant 12 : i32
        %add3A_302 = arith.addi %mul3A_300, %add3A_301 : i32
        %slice3A_303 = vector.extract_strided_slice %get3A_121 {offsets = [12], sizes = [1], strides = [1]} : vector<16xf32> to vector<1xf32>
        %squeeze3A_304 = vector.extract %slice3A_303[0] : f32 from vector<1xf32>
        %get3A_305 = arith.index_cast %add3A_302 : i32 to index
        %get3A_306 = arith.constant 0 : index
        %get3A_307 = tpu.vector_load %arg35[%get3A_305, %get3A_306] {strides = array<i32>} : memref<112x16xf32, #tpu.memory_space<vmem>>, vector<16xf32>,
        %mul3A_308 = vector.broadcast %squeeze3A_304 : f32 to vector<16xf32>
        %mul3A_309 = arith.mulf %mul3A_308, %get3A_307 : vector<16xf32>
        %add3A_310 = arith.addf %mul3A_309, %select_n3A : vector<16xf32>
        %swap3A_311 = arith.index_cast %add3A_302 : i32 to index
        %swap3A_312 = arith.constant 0 : index
        %swap3A_313 = tpu.vector_load %arg35[%swap3A_311, %swap3A_312] {strides = array<i32>} : memref<112x16xf32, #tpu.memory_space<vmem>>, vector<16xf32>,
        tpu.vector_store %arg35[%swap3A_311, %swap3A_312], %add3A_310 {strides = array<i32>} : memref<112x16xf32, #tpu.memory_space<vmem>>, vector<16xf32>,
        %mul3A_314 = arith.constant 16 : i32
        %mul3A_315 = arith.muli %scan3A_117, %mul3A_314 : i32
        %add3A_316 = arith.constant 13 : i32
        %add3A_317 = arith.addi %mul3A_315, %add3A_316 : i32
        %slice3A_318 = vector.extract_strided_slice %get3A_121 {offsets = [13], sizes = [1], strides = [1]} : vector<16xf32> to vector<1xf32>
        %squeeze3A_319 = vector.extract %slice3A_318[0] : f32 from vector<1xf32>
        %get3A_320 = arith.index_cast %add3A_317 : i32 to index
        %get3A_321 = arith.constant 0 : index
        %get3A_322 = tpu.vector_load %arg35[%get3A_320, %get3A_321] {strides = array<i32>} : memref<112x16xf32, #tpu.memory_space<vmem>>, vector<16xf32>,
        %mul3A_323 = vector.broadcast %squeeze3A_319 : f32 to vector<16xf32>
        %mul3A_324 = arith.mulf %mul3A_323, %get3A_322 : vector<16xf32>
        %add3A_325 = arith.addf %mul3A_324, %select_n3A : vector<16xf32>
        %swap3A_326 = arith.index_cast %add3A_317 : i32 to index
        %swap3A_327 = arith.constant 0 : index
        %swap3A_328 = tpu.vector_load %arg35[%swap3A_326, %swap3A_327] {strides = array<i32>} : memref<112x16xf32, #tpu.memory_space<vmem>>, vector<16xf32>,
        tpu.vector_store %arg35[%swap3A_326, %swap3A_327], %add3A_325 {strides = array<i32>} : memref<112x16xf32, #tpu.memory_space<vmem>>, vector<16xf32>,
        %mul3A_329 = arith.constant 16 : i32
        %mul3A_330 = arith.muli %scan3A_117, %mul3A_329 : i32
        %add3A_331 = arith.constant 14 : i32
        %add3A_332 = arith.addi %mul3A_330, %add3A_331 : i32
        %slice3A_333 = vector.extract_strided_slice %get3A_121 {offsets = [14], sizes = [1], strides = [1]} : vector<16xf32> to vector<1xf32>
        %squeeze3A_334 = vector.extract %slice3A_333[0] : f32 from vector<1xf32>
        %get3A_335 = arith.index_cast %add3A_332 : i32 to index
        %get3A_336 = arith.constant 0 : index
        %get3A_337 = tpu.vector_load %arg35[%get3A_335, %get3A_336] {strides = array<i32>} : memref<112x16xf32, #tpu.memory_space<vmem>>, vector<16xf32>,
        %mul3A_338 = vector.broadcast %squeeze3A_334 : f32 to vector<16xf32>
        %mul3A_339 = arith.mulf %mul3A_338, %get3A_337 : vector<16xf32>
        %add3A_340 = arith.addf %mul3A_339, %select_n3A : vector<16xf32>
        %swap3A_341 = arith.index_cast %add3A_332 : i32 to index
        %swap3A_342 = arith.constant 0 : index
        %swap3A_343 = tpu.vector_load %arg35[%swap3A_341, %swap3A_342] {strides = array<i32>} : memref<112x16xf32, #tpu.memory_space<vmem>>, vector<16xf32>,
        tpu.vector_store %arg35[%swap3A_341, %swap3A_342], %add3A_340 {strides = array<i32>} : memref<112x16xf32, #tpu.memory_space<vmem>>, vector<16xf32>,
        %mul3A_344 = arith.constant 16 : i32
        %mul3A_345 = arith.muli %scan3A_117, %mul3A_344 : i32
        %add3A_346 = arith.constant 15 : i32
        %add3A_347 = arith.addi %mul3A_345, %add3A_346 : i32
        %slice3A_348 = vector.extract_strided_slice %get3A_121 {offsets = [15], sizes = [1], strides = [1]} : vector<16xf32> to vector<1xf32>
        %squeeze3A_349 = vector.extract %slice3A_348[0] : f32 from vector<1xf32>
        %get3A_350 = arith.index_cast %add3A_347 : i32 to index
        %get3A_351 = arith.constant 0 : index
        %get3A_352 = tpu.vector_load %arg35[%get3A_350, %get3A_351] {strides = array<i32>} : memref<112x16xf32, #tpu.memory_space<vmem>>, vector<16xf32>,
        %mul3A_353 = vector.broadcast %squeeze3A_349 : f32 to vector<16xf32>
        %mul3A_354 = arith.mulf %mul3A_353, %get3A_352 : vector<16xf32>
        %add3A_355 = arith.addf %mul3A_354, %select_n3A : vector<16xf32>
        %swap3A_356 = arith.index_cast %add3A_347 : i32 to index
        %swap3A_357 = arith.constant 0 : index
        %swap3A_358 = tpu.vector_load %arg35[%swap3A_356, %swap3A_357] {strides = array<i32>} : memref<112x16xf32, #tpu.memory_space<vmem>>, vector<16xf32>,
        tpu.vector_store %arg35[%swap3A_356, %swap3A_357], %add3A_355 {strides = array<i32>} : memref<112x16xf32, #tpu.memory_space<vmem>>, vector<16xf32>,
      }
      %scan3A_116 = arith.constant 7 : i32
      "tpu.region"() ({
        %run_scoped3A_117 = tpu.sem_alloc : memref<!tpu.dma_semaphore, #tpu.memory_space<semaphore_mem>>
        %dma_start3A_118 = arith.constant 0 : i32
        %dma_start3A_119 = tpu.memref_slice %arg7[%arg0, %add3A_107, %dma_start3A_118] : memref<2x50176x16xf32, #tpu.memory_space<hbm>> -> memref<1x112x16xf32, #tpu.memory_space<hbm>>
        %dma_start3A_120 = tpu.memref_squeeze %dma_start3A_119 : memref<1x112x16xf32, #tpu.memory_space<hbm>> -> memref<112x16xf32, #tpu.memory_space<hbm>>
        %dma_start3A_121 = arith.constant 0 : i32
        %dma_start3A_122 = tpu.memref_slice %arg7[%arg0, %add3A_107, %dma_start3A_121] : memref<2x50176x16xf32, #tpu.memory_space<hbm>> -> memref<1x112x16xf32, #tpu.memory_space<hbm>>
        %dma_start3A_123 = tpu.memref_squeeze %dma_start3A_122 : memref<1x112x16xf32, #tpu.memory_space<hbm>> -> memref<112x16xf32, #tpu.memory_space<hbm>>
        tpu.enqueue_dma source(%arg35 : memref<112x16xf32, #tpu.memory_space<vmem>>) target(%dma_start3A_123 : memref<112x16xf32, #tpu.memory_space<hbm>>) target_semaphore(%run_scoped3A_117 : memref<!tpu.dma_semaphore, #tpu.memory_space<semaphore_mem>>)
        %dma_wait3A_124 = arith.constant 0 : i32
        %dma_wait3A_125 = tpu.memref_slice %arg7[%arg0, %add3A_107, %dma_wait3A_124] : memref<2x50176x16xf32, #tpu.memory_space<hbm>> -> memref<1x112x16xf32, #tpu.memory_space<hbm>>
        %dma_wait3A_126 = tpu.memref_squeeze %dma_wait3A_125 : memref<1x112x16xf32, #tpu.memory_space<hbm>> -> memref<112x16xf32, #tpu.memory_space<hbm>>
        %dma_wait3A_127 = arith.constant 0 : i32
        %dma_wait3A_128 = tpu.memref_slice %arg7[%arg0, %add3A_107, %dma_wait3A_127] : memref<2x50176x16xf32, #tpu.memory_space<hbm>> -> memref<1x112x16xf32, #tpu.memory_space<hbm>>
        %dma_wait3A_129 = tpu.memref_squeeze %dma_wait3A_128 : memref<1x112x16xf32, #tpu.memory_space<hbm>> -> memref<112x16xf32, #tpu.memory_space<hbm>>
        tpu.wait_dma2 semaphore(%run_scoped3A_117 : memref<!tpu.dma_semaphore, #tpu.memory_space<semaphore_mem>>) src(%arg35 : memref<112x16xf32, #tpu.memory_space<vmem>>) dst(%dma_wait3A_129 : memref<112x16xf32, #tpu.memory_space<hbm>>)
        tpu.yield
      }) : () -> ()
    }
    %scan3A_103 = arith.constant 28 : i32
    return
  }
}

module attributes {stable_mosaic.version = 14 : i64} {
  func.func @_prep_body(%arg0: i32, %arg1: memref<1024x80xf32, #tpu.memory_space<vmem>>, %arg2: memref<32x1024xf32, #tpu.memory_space<vmem>>, %arg3: memref<80x16xf32, #tpu.memory_space<vmem>>, %arg4: memref<1024x16xf32, #tpu.memory_space<vmem>>, %arg5: memref<1024xf32, #tpu.memory_space<vmem>>) attributes {dimension_semantics = [#tpu.dimension_semantics<arbitrary>], iteration_bounds = array<i64: 49>, scalar_prefetch = 0 : i64, scratch_operands = 0 : i64, tpu.core_type = #tpu.core_type<tc>, window_params = [{transform_indices = @transform_0, window_bounds = array<i64: 1024, 80>}, {transform_indices = @transform_1, window_bounds = array<i64: 32, 1024>}, {pipeline_mode = #tpu.pipeline_mode<synchronous>, transform_indices = @transform_2, window_bounds = array<i64: 80, 16>}, {transform_indices = @transform_3, window_bounds = array<i64: 1024, 16>}, {transform_indices = @transform_4, window_bounds = array<i64: 1024>}]} {
    %get3A = arith.constant 0 : index
    %get3A_0 = arith.constant 0 : index
    %get3A_1 = vector.load %arg2[%get3A, %get3A_0] : memref<32x1024xf32, #tpu.memory_space<vmem>>, vector<32x1024xf32>
    %reduce_sum3A = arith.constant dense<0.000000e+00> : vector<1024xf32>
    %reduce_sum3A_2 = vector.multi_reduction <add>, %get3A_1, %reduce_sum3A [0] : vector<32x1024xf32> to vector<1024xf32>
    %add3A = arith.constant 1.000000e+00 : f32
    %add3A_3 = vector.broadcast %add3A : f32 to vector<1024xf32>
    %add3A_4 = arith.addf %reduce_sum3A_2, %add3A_3 : vector<1024xf32>
    %rsqrt3A = math.rsqrt %add3A_4 : vector<1024xf32>
    %get3A_5 = arith.constant 0 : index
    %get3A_6 = arith.constant 0 : index
    %get3A_7 = vector.load %arg1[%get3A_5, %get3A_6] : memref<1024x80xf32, #tpu.memory_space<vmem>>, vector<1024x80xf32>
    %get3A_8 = arith.constant 0 : index
    %get3A_9 = arith.constant 0 : index
    %get3A_10 = vector.load %arg3[%get3A_8, %get3A_9] : memref<80x16xf32, #tpu.memory_space<vmem>>, vector<80x16xf32>
    %dot_general3A = arith.constant dense<0.000000e+00> : vector<1024x16xf32>
    %dot_general3A_11 = tpu.matmul %get3A_7, %get3A_10, %dot_general3A {dimension_numbers = #tpu.dot_dimension_numbers<[1], [0], [0], [1], [0, 0, 1, 1], [], []>, transpose_lhs_hint = false} : vector<1024x80xf32>, vector<80x16xf32>, vector<1024x16xf32> -> vector<1024x16xf32>
    %broadcast_in_dim3A = vector.shape_cast %rsqrt3A : vector<1024xf32> to vector<1024x1xf32>
    %mul3A = vector.broadcast %broadcast_in_dim3A : vector<1024x1xf32> to vector<1024x16xf32>
    %mul3A_12 = arith.mulf %dot_general3A_11, %mul3A : vector<1024x16xf32>
    %swap3A = arith.constant 0 : index
    %swap3A_13 = arith.constant 0 : index
    %swap3A_14 = vector.load %arg4[%swap3A, %swap3A_13] : memref<1024x16xf32, #tpu.memory_space<vmem>>, vector<1024x16xf32>
    tpu.vector_store %arg4[%swap3A, %swap3A_13], %mul3A_12 {strides = array<i32>} : memref<1024x16xf32, #tpu.memory_space<vmem>>, vector<1024x16xf32>,
    %swap3A_15 = arith.constant 0 : index
    %swap3A_16 = vector.load %arg5[%swap3A_15] : memref<1024xf32, #tpu.memory_space<vmem>>, vector<1024xf32>
    tpu.vector_store %arg5[%swap3A_15], %rsqrt3A {strides = array<i32>} : memref<1024xf32, #tpu.memory_space<vmem>>, vector<1024xf32>,
    return
  }
  func.func @transform_0(%arg0: i32) -> (i32, i32) {
    %c0_i32 = arith.constant 0 : i32
    %c0_i32_0 = arith.constant 0 : i32
    return %arg0, %c0_i32 : i32, i32
  }
  func.func @transform_1(%arg0: i32) -> (i32, i32) {
    %c0_i32 = arith.constant 0 : i32
    %c0_i32_0 = arith.constant 0 : i32
    return %c0_i32, %arg0 : i32, i32
  }
  func.func @transform_2(%arg0: i32) -> (i32, i32) {
    %c0_i32 = arith.constant 0 : i32
    %c0_i32_0 = arith.constant 0 : i32
    %c0_i32_1 = arith.constant 0 : i32
    return %c0_i32, %c0_i32_0 : i32, i32
  }
  func.func @transform_3(%arg0: i32) -> (i32, i32) {
    %c0_i32 = arith.constant 0 : i32
    %c0_i32_0 = arith.constant 0 : i32
    return %arg0, %c0_i32 : i32, i32
  }
  func.func @transform_4(%arg0: i32) -> i32 {
    %c0_i32 = arith.constant 0 : i32
    return %arg0 : i32
  }
}

</mosaic_0001>

<sc_bundles>
// kernel: kernel.5.cloned.1.call-start
scs
__scs_entry_jumppad:
0x0: {  	(pc) =	sbr.rel $0x88, $3  }
0x1: {  	(tag) =	ssettag $0x0;
	lr =	simm.s32 $0x1  }
0x2: {  	[smem:$0x3F9B] =	sst lr;
	_ =	strace $0xD0000000  }
0x3: {  	_ = 	snop  }
0x4: {  	_ = 	snop  }
0x5: {  	_ = 	snop  }
0x6: {  	_ = 	snop  }
0x7: {  	_ = 	snop  }
__scs_overlays_trampoline_lowered:
0x8: {  	[smem:$0x3FAA] =	sst s0  }
0x9: {  	[smem:$0x3FAB] =	sst s1  }
0xa: {  	[smem:$0x3FAC] =	sst s2  }
0xb: {  	[smem:$0x3FAD] =	sst s3  }
0xc: {  	[smem:$0x3FAE] =	sst s4  }
0xd: {  	[smem:$0x3FAF] =	sst s5  }
0xe: {  	[smem:$0x3FB0] =	sst s6  }
0xf: {  	[smem:$0x3FB1] =	sst s7  }
0x10: {  	[smem:$0x3FB2] =	sst s8  }
0x11: {  	[smem:$0x3FB3] =	sst s9;
	s0 =	simm.s32 @!p0 $0x0  }
0x12: {  	s1 =	sld [smem:$0x3F99];
	s0 =	simm.s32 @p0 $0x1  }
0x13: {  	[smem:$0x3FB4] =	sst s0;
	s0 =	simm.s32 @!p1 $0x0  }
0x14: {  	s2 =	sld [smem:$0x3F98];
	s0 =	simm.s32 @p1 $0x1  }
0x15: {  	[smem:$0x3FB5] =	sst s0;
	s0 =	simm.s32 @!p2 $0x0  }
0x16: {  	s3 =	sld [smem:$0x3FDB];
	s0 =	simm.s32 @p2 $0x1  }
0x17: {  	s4 =	simm.s32 $0x1BF5;
	[smem:$0x3FB7] =	sst s0  }
0x18: {  	s0 =	sld [smem:$0x3F9A];
	_ =	swait.ge [sflag:s4], $0x0  }
0x19: {  	s7 =	sld [smem:$0x3F9B]  }
0x1a: {  	s8 =	sadd.s32 $0xFFFFE003, lr  }
0x1b: {  	s9 =	sadd.s32 $0xFFFFFEF7, lr;
	s5 =	simm.s32 $0xFFFFFFFF;
	p2 =	slt.u32 s8, $0xFFFFF086  }
0x1c: {  	p1 =	slt.u32 s9, $0xF7A;
	s5 =	simm.s32 @!p2 $0x0  }
0x1d: {  	s5 =	simm.s32 @p1 $0x1;
	p0 =	seq.s32 s7, s2  }
0x1e: {  	s7 =	smul.u32 @!p0 $0xF7A, s2;
	p2 =	seq.s32 @!p0 s5, $0x0  }
0x1f: {  	s9 =	smul.u32 $0xF7A, s1;
	s8 =	simm.s32 @!p0 $0x1BF5;
	p2 =	por !p2, p0  }
0x20: {  	[sflag:s8] =	ssyncset.s32 @!p0 $0xFFFFF086;
	s6 =	sadd.s32 @!p0 s3, s7;
	s7 =	simm.s32 @!p0 $0x108  }
0x21: {  	s3 =	sadd.s32 s3, s9;
	s6 =	sadd.s32 @!p0 $0x88, s6;
	s7 =	simm.s32 @p2 $0x1082  }
0x22: {  	[simem:s7], [sflag:s8] =	dma.local @!p0 [hbm:s6], $0xF7A  }
0x23: {  	s9 =	sor.u32 $0xD0000000, s2;
	s6 =	simm.s32 $0x108;
	_ =	swait.ge @!p0 [sflag:s8], $0x0  }
0x24: {  	s3 =	sadd.s32 $0x88, s3;
	s6 =	simm.s32 @!p1 $0x1082;
	[sflag:s4] =	ssyncset.s32 $0xFFFFF086  }
0x25: {  	[simem:s6], [sflag:s4] =	dma.local [hbm:s3], $0xF7A  }
0x26: {  	[smem:$0x3F9B] =	sst s1;
	(tag) =	ssettag s2;
	_ =	strace s9  }
0x27: {  	s1 =	sld [smem:$0x3FAB]  }
0x28: {  	s2 =	sld [smem:$0x3FAC]  }
0x29: {  	s4 =	sld [smem:$0x3FAE]  }
0x2a: {  	p0 =	seq.s32 s5, $0x0;
	s5 =	sld [smem:$0x3FAF]  }
0x2b: {  	s6 =	sld [smem:$0x3FB0]  }
0x2c: {  	s7 =	sld [smem:$0x3FB1]  }
0x2d: {  	s3 =	simm.s32 $0x108;
	s8 =	sld [smem:$0x3FB2]  }
0x2e: {  	s3 =	simm.s32 @!p0 $0x1082;
	s9 =	sld [smem:$0x3FB3]  }
0x2f: {  	lr =	sadd.s32 s0, s3;
	s0 =	sld [smem:$0x3FAA]  }
0x30: {  	s3 =	sld [smem:$0x3FAD]  }
0x31: {  	[smem:$0x3FB6] =	sst s10  }
0x32: {  	s10 =	sld [smem:$0x3FB4];
	_ =	sdelay $0x3  }
0x33: {  	p0 =	seq.s32 s10, $0x1;
	s10 =	sld [smem:$0x3FB6];
	_ =	sdelay $0x3  }
0x34: {  	[smem:$0x3FB6] =	sst s10  }
0x35: {  	s10 =	sld [smem:$0x3FB5];
	_ =	sdelay $0x3  }
0x36: {  	p1 =	seq.s32 s10, $0x1;
	s10 =	sld [smem:$0x3FB6];
	_ =	sdelay $0x3  }
0x37: {  	[smem:$0x3FB6] =	sst s10  }
0x38: {  	s10 =	sld [smem:$0x3FB7]  }
0x39: {  	_ = 	snop;
	(pc) =	sbr.ind lr, $3  }
0x3a: {  	_ = 	snop  }
0x3b: {  	_ = 	snop  }
0x3c: {  	p2 =	seq.s32 s10, $0x1;
	s10 =	sld [smem:$0x3FB6]  }
0x3d: {  	_ =	shalt  }
0x3e: {  	_ =	shalt  }
0x3f: {  	_ =	shalt  }
0x40: {  	_ =	shalt  }
0x41: {  	_ =	shalt  }
0x42: {  	_ =	shalt  }
0x43: {  	_ =	shalt  }
0x44: {  	_ =	shalt  }
0x45: {  	_ =	shalt  }
0x46: {  	_ =	shalt  }
0x47: {  	_ =	shalt  }
0x48: {  	_ =	shalt  }
0x49: {  	_ =	shalt  }
0x4a: {  	_ =	shalt  }
0x4b: {  	_ =	shalt  }
0x4c: {  	_ =	shalt  }
0x4d: {  	_ =	shalt  }
0x4e: {  	_ =	shalt  }
0x4f: {  	_ =	shalt  }
0x50: {  	_ =	shalt  }
0x51: {  	_ =	shalt  }
0x52: {  	_ =	shalt  }
0x53: {  	_ =	shalt  }
0x54: {  	_ =	shalt  }
0x55: {  	_ =	shalt  }
0x56: {  	_ =	shalt  }
0x57: {  	_ =	shalt  }
0x58: {  	_ =	shalt  }
0x59: {  	_ =	shalt  }
0x5a: {  	_ =	shalt  }
0x5b: {  	_ =	shalt  }
0x5c: {  	_ =	shalt  }
0x5d: {  	_ =	shalt  }
0x5e: {  	_ =	shalt  }
0x5f: {  	_ =	shalt  }
0x60: {  	_ =	shalt  }
0x61: {  	_ =	shalt  }
0x62: {  	_ =	shalt  }
0x63: {  	_ =	shalt  }
0x64: {  	_ =	shalt  }
0x65: {  	_ =	shalt  }
0x66: {  	_ =	shalt  }
0x67: {  	_ =	shalt  }
0x68: {  	_ =	shalt  }
0x69: {  	_ =	shalt  }
0x6a: {  	_ =	shalt  }
0x6b: {  	_ =	shalt  }
0x6c: {  	_ =	shalt  }
0x6d: {  	_ =	shalt  }
0x6e: {  	_ =	shalt  }
0x6f: {  	_ =	shalt  }
0x70: {  	_ =	shalt  }
0x71: {  	_ =	shalt  }
0x72: {  	_ =	shalt  }
0x73: {  	_ =	shalt  }
0x74: {  	_ =	shalt  }
0x75: {  	_ =	shalt  }
0x76: {  	_ =	shalt  }
0x77: {  	_ =	shalt  }
0x78: {  	_ =	shalt  }
0x79: {  	_ =	shalt  }
0x7a: {  	_ =	shalt  }
0x7b: {  	_ =	shalt  }
0x7c: {  	_ =	shalt  }
0x7d: {  	_ =	shalt  }
0x7e: {  	_ =	shalt  }
0x7f: {  	_ =	shalt  }
0x80: {  	_ =	shalt  }
0x81: {  	_ =	shalt  }
0x82: {  	_ =	shalt  }
0x83: {  	_ =	shalt  }
0x84: {  	_ =	shalt  }
0x85: {  	_ =	shalt  }
0x86: {  	_ =	shalt  }
0x87: {  	_ =	shalt  }
.Lfunc_end0:
.L_simem_size_0:
called_computation_lowered:
.L_overlay_start_0:
0x88: {  	s2 =	sld [smem:$0x3FD9]  }
0x89: {  	s3 =	sld [smem:$0x3FFE];
	_ =	sdelay $0x1  }
0x8a: {  	s1 =	srdreg.scid  }
0x8b: {  	s0 =	sand.u32 $0x1, s1  }
0x8c: {  	s17 =	sshll.u32 s0, $0xA;
	s2 =	sadd.s32 s3, s2  }
0x8d: {  	s2 =	sadd.s32 s2, s17  }
0x8e: {  	[smem:$0x3FC2] =	sst s2  }
0x8f: {  	_ = 	snop  }
0x90: {  	s2 =	sld [smem:$0x3FD0];
	(tm) =	ssettm $0x1  }
0x91: {  	s18 =	sld [smem:$0x3FFB];
	_ =	sdelay $0x3  }
0x92: {  	_ =	strace s18  }
0x93: {  	s3 =	sld [smem:$0x3FFC];
	_ =	sdelay $0x3  }
0x94: {  	_ =	strace s3  }
0x95: {  	s3 =	sld [smem:$0x3FFD];
	_ =	sdelay $0x3  }
0x96: {  	_ =	strace s3  }
0x97: {  	_ =	strace $0x8FFFFFFF  }
0x98: {  	s19 =	sld [smem:$0x3FDB];
	_ =	sdelay $0x1  }
0x99: {  	s4 =	simm.s32 $_scs_section_size  }
0x9a: {  	s5 =	simm.s32 $_size__tile_overlayer_lowered;
	s6 =	simm.s32 $_tile_overlayer_lowered  }
0x9b: {  	s22 =	simm.s32 $0x1BFF;
	s21 =	sshll.u32 s6, $0x1;
	s3 =	sadd.s32 s4, s19  }
0x9c: {  	s7 =	simm.s32 $0x0;
	s20 =	sshll.u32 s5, $0x1;
	s5 =	sadd.s32 s21, s3  }
0x9d: {  	[timem:s7], [sflag:s22] =	dma.local [hbm:s5], s20  }
0x9e: {  	_ =	swait.ge [sflag:s22], s20  }
0x9f: {  	s4 =	ssub.s32 $0x0, s20;
	[sflag:s22] =	ssyncset.done $0x0  }
0xa0: {  	[sflag:s22] =	ssyncadd.s32 s4;
	_ =	sdelay $0x1  }
0xa1: {  	s23 =	simm.s32 $0x1B8B  }
0xa2: {  	_ =	swait.ge [sflag:s23], $0x1  }
0xa3: {  	[sflag:s23] =	ssyncset.done $0x0  }
0xa4: {  	s25 =	simm.s32 $0x1B8E;
	s24 =	sld [smem:$0x3FFE];
	[sflag:s23] =	ssyncadd.s32 $0xFFFFFFFF  }
0xa5: {  	s26 =	simm.s32 $execute0_lowered;
	[smem:$0x3FD2] =	sst s25  }
0xa6: {  	s5 =	sshll.u32 s26, $0x1;
	_ =	strace $0x80000046;
	[dreg:$0x1] =	wrdreg $0xFFFFFFFF  }
0xa7: {  	s28 =	simm.s32 $_size_execute0_lowered;
	s3 =	sadd.s32 s3, s5;
	[dreg:$0x0] =	wrdreg $0x0  }
0xa8: {  	s5 =	sshll.u32 s28, $0x1;
	[dreg:$0x2] =	wrdreg s3  }
0xa9: {  	[dreg:$0x3] =	wrdreg s5  }
0xaa: {  	[dreg:$0x4] =	wrdreg $0xC0  }
0xab: {  	_ =	task [dreg:s7], $0x5FFFF  }
0xac: {  	[dreg:$0x1] =	wrdreg $0xFFFFFFFF  }
0xad: {  	[dreg:$0x0] =	wrdreg $0x60  }
0xae: {  	[dreg:$0x2] =	wrdreg s24  }
0xaf: {  	[dreg:$0x3] =	wrdreg s2  }
0xb0: {  	[dreg:$0x4] =	wrdreg $0x9  }
0xb1: {  	_ =	task.clear_ibuf [dreg:s7], $0x5FFFF;
	_ =	strace $0x90000046  }
0xb2: {  	s29 =	simm.s32 $0x9;
	_ =	strace $0x80000048  }
0xb3: {  	_ =	swait.ge [sflag:s29], $0x1  }
0xb4: {  	[sflag:s29] =	ssyncadd.s32 $0xFFFFFFFF  }
0xb5: {  	_ =	strace $0x90000048  }
0xb6: {  	_ =	sfence  }
0xb7: {  	s30 =	sld [smem:$0x0];
	_ =	sdelay $0x2  }
0xb8: {  	s31 =	sshll.u32 s1, $0xD;
	s1 =	sshrl.u32 s1, $0x2  }
0xb9: {  	s3 =	sand.u32 $0x4000, s31;
	s1 =	sadd.s32 s1, s30  }
0xba: {  	s0 =	sor.u32 s3, s0;
	s1 =	sshll.u32 s1, $0x11  }
0xbb: {  	s0 =	sor.u32 s1, s0  }
0xbc: {  	s0 =	sadd.s32 $0x8F2B, s0  }
0xbd: {  	[sflag:s0] =	ssyncadd.remote.s32 $0x1  }
0xbe: {  	_ =	sfence.sel $0xFFFF  }
0xbf: {  	[dreg:$0x0] =	wrdreg $0xFFFFFFFF;
	(pc) =	sbr.abs _section_cstart, $3  }
0xc0: {  	[dreg:$0x1] =	wrdreg $0xFFFFFFFF  }
0xc1: {  	_ =	task.clear_ibuf [dreg:s7], $0x2FFFF;
	_ =	strace $0x9FFFFFFF  }
0xc2: {  	(tm) =	ssettm $0x7FFFFFFF  }
0xc3: {  	_ =	shalt  }
tec
execute0_lowered:
.L_overlay_start_1:
0x0: {  	(tag) =	ssettag $0x1  }
0x1: {  	s1 =	srdreg.scid;
	s0 =	stileid.u32  }
0x2: {  	s4 =	rddreg [dreg:$0x0];
	s5 =	sand.u32 $0x1, s1;
	s31 =	sshll.u32 s0, $0x1  }
0x3: {  	s2 =	rddreg [dreg:$0x1];
	s6 =	sor.u32 s5, s31  }
0x4: {  	s3 =	simm.s32 $0x0;
	s9 =	simm.s32 $0x0;
	s7 =	smul.u32 $0x6400, s6  }
0x5: {  	[smem:$0x7FF] =	sst s3;
	s5 =	ssub.s32 $0x2, s5;
	s6 =	smul.u32 $0x1880, s6  }
0x6: {  	s1 =	rddreg [dreg:$0x2];
	_ =	strace $0x80000047;
	s8 =	sshrl.u32 s5, $0x1  }
0x7: {  	s8 =	ssub.s32 s5, s8;
	s7 =	sshrl.u32 s7, $0x3;
	s6 =	sadd.s32 s6, s4  }
0x8: {  	s4 =	sadd.s32 s4, s7;
	s5 =	sadd.s32 $0x33C00, s6;
	s6 =	smax.u32 s8, $0x1  }
0x9: {  	v0 =	vimm.f32 $1.000000000e+00;
	s7 =	simm.s32 $0x1;
	s8 =	simm.s32 $0xC400;
	s4 =	sadd.s32 $0x1AC00, s4  }
.LBB2_1:
0xa: {  	[tilespmem:s3], [sflag:$0x1] =	stream.linear.gather [hbm4b:s2+s3], $0xC400, $0x38;
	[tilespmem:$0x12800] =	vst v63  }
0xb: {  	_ =	swait.ge [sflag:s7], $0xC400  }
0xc: {  	[sflag:s7] =	ssyncset.done $0x0  }
0xd: {  	[sflag:s7] =	ssyncadd.s32 $0xFFFF3C00  }
0xe: {  	[tilespmem:s8], [sflag:$0x1] =	stream.linear.gather [hbm4b:s4+s3], $0x6400, $0x38;
	[tilespmem:$0x12800] =	vst v63  }
0xf: {  	_ =	swait.ge [sflag:s7], $0x6400  }
0x10: {  	[sflag:s7] =	ssyncset.done $0x0  }
0x11: {  	s10 =	simm.s32 $0x0;
	[sflag:s7] =	ssyncadd.s32 $0xFFFF9C00  }
.LBB2_2:
0x12: {  	s11 =	sshra.s32 s10, $0x2  }
0x13: {  	v1 =	vld [tilespmem:s11+$0xC400];
	_ =	sdelay $0x7  }
0x14: {  	[tilespmem:v1+s3+$0x0] =	vst.idx.add.f32.msk $0xffff, v0  }
0x15: {  	v1 =	vld [tilespmem:s11+$0xC410];
	_ =	sdelay $0x7  }
0x16: {  	[tilespmem:v1+s3+$0x0] =	vst.idx.add.f32.msk $0xffff, v0  }
0x17: {  	v1 =	vld [tilespmem:s11+$0xC420];
	_ =	sdelay $0x7  }
0x18: {  	[tilespmem:v1+s3+$0x0] =	vst.idx.add.f32.msk $0xffff, v0  }
0x19: {  	v1 =	vld [tilespmem:s11+$0xC430];
	_ =	sdelay $0x7  }
0x1a: {  	[tilespmem:v1+s3+$0x0] =	vst.idx.add.f32.msk $0xffff, v0  }
0x1b: {  	v1 =	vld [tilespmem:s11+$0xC440];
	_ =	sdelay $0x7  }
0x1c: {  	[tilespmem:v1+s3+$0x0] =	vst.idx.add.f32.msk $0xffff, v0  }
0x1d: {  	v1 =	vld [tilespmem:s11+$0xC450];
	_ =	sdelay $0x7  }
0x1e: {  	[tilespmem:v1+s3+$0x0] =	vst.idx.add.f32.msk $0xffff, v0  }
0x1f: {  	v1 =	vld [tilespmem:s11+$0xC460];
	_ =	sdelay $0x7  }
0x20: {  	[tilespmem:v1+s3+$0x0] =	vst.idx.add.f32.msk $0xffff, v0  }
0x21: {  	v1 =	vld [tilespmem:s11+$0xC470];
	_ =	sdelay $0x2  }
0x22: {  	p0 =	sne.s32 s10, $0x18E00  }
.Ltmp0:
0x23: {  	_ = 	snop;
	(pc) =	sbr.rel @p0 .LBB2_2-.Ltmp0, $2  }
0x24: {  	_ =	sdelay $0x2  }
0x25: {  	s10 =	sadd.s32 $0x200, s10;
	[tilespmem:v1+s3+$0x0] =	vst.idx.add.f32.msk $0xffff, v0  }
0x26: {  	s9 =	sadd.s32 $0x1, s9  }
0x27: {  	p0 =	sne.s32 s9, s6  }
.Ltmp1:
0x28: {  	_ = 	snop;
	(pc) =	sbr.rel @p0 .LBB2_1-.Ltmp1, $4  }
0x29: {  	[hbm4b:s5+s3] =	stream.linear.scatter [tilespmem:s3], [sflag:$0x1], $0xC400, $0x38;
	[tilespmem:$0x12800] =	vst v63  }
0x2a: {  	_ =	swait.ge [sflag:s7], $0xC400  }
0x2b: {  	[sflag:s7] =	ssyncset.done $0x0  }
0x2c: {  	[sflag:s7] =	ssyncadd.s32 $0xFFFF3C00  }
0x2d: {  	_ =	sfence.sel $0x180000  }
0x2e: {  	[bflag:$0x0] =	sbarrier.arrive $0xFFFF  }
0x2f: {  	p0 =	sne.s32 s0, $0x0;
	_ =	strace $0x90000047  }
0x30: {  	s0 =	sadd.s32 @!p0 $0x100000, s1;
	[bflag:$0x2] =	sbarrier.arrive $0xFFFF  }
0x31: {  	[sflag:s0] =	ssyncadd.tile.s32 @!p0 $0x1;
	_ =	shalt  }
.Lfunc_end2:
_tile_overlayer_lowered:
.L_overlay_start_2:
0x32: {  	(tag) =	ssettag $0x2  }
0x33: {  	s0 =	rddreg [dreg:$0x0];
	s2 =	stileid.u32  }
0x34: {  	s1 =	rddreg [dreg:$0x1];
	p0 =	sne.s32 s2, $0x0  }
0x35: {  	s3 =	rddreg [dreg:$0x2];
	[bflag:$0x3] =	sbarrier.arrive $0xFFFF;
	s2 =	simm.s32 @!p0 $0x1C01  }
0x36: {  	[timem:s3], [sflag:s2] =	dma.local @!p0 [hbm:s0], s1  }
0x37: {  	s0 =	simm.s32 @!p0 $0x1  }
0x38: {  	_ =	swait.ge @!p0 [sflag:s0], s1  }
0x39: {  	s1 =	ssub.s32 @!p0 $0x0, s1;
	[sflag:s0] =	ssyncset.done @!p0 $0x0  }
0x3a: {  	[sflag:s0] =	ssyncadd.s32 @!p0 s1  }
0x3b: {  	[bflag:$0x3] =	sbarrier.arrive $0xFFFF  }
0x3c: {  	_ =	shalt  }

// kernel: kernel.8.cloned.1.call-start
scs
__scs_entry_jumppad:
0x0: {  	(pc) =	sbr.rel $0x88, $3  }
0x1: {  	(tag) =	ssettag $0x0;
	lr =	simm.s32 $0x1  }
0x2: {  	[smem:$0x3F9B] =	sst lr;
	_ =	strace $0xD0000000  }
0x3: {  	_ = 	snop  }
0x4: {  	_ = 	snop  }
0x5: {  	_ = 	snop  }
0x6: {  	_ = 	snop  }
0x7: {  	_ = 	snop  }
__scs_overlays_trampoline_lowered:
0x8: {  	[smem:$0x3FAA] =	sst s0  }
0x9: {  	[smem:$0x3FAB] =	sst s1  }
0xa: {  	[smem:$0x3FAC] =	sst s2  }
0xb: {  	[smem:$0x3FAD] =	sst s3  }
0xc: {  	[smem:$0x3FAE] =	sst s4  }
0xd: {  	[smem:$0x3FAF] =	sst s5  }
0xe: {  	[smem:$0x3FB0] =	sst s6  }
0xf: {  	[smem:$0x3FB1] =	sst s7  }
0x10: {  	[smem:$0x3FB2] =	sst s8  }
0x11: {  	[smem:$0x3FB3] =	sst s9;
	s0 =	simm.s32 @!p0 $0x0  }
0x12: {  	s1 =	sld [smem:$0x3F99];
	s0 =	simm.s32 @p0 $0x1  }
0x13: {  	[smem:$0x3FB4] =	sst s0;
	s0 =	simm.s32 @!p1 $0x0  }
0x14: {  	s2 =	sld [smem:$0x3F98];
	s0 =	simm.s32 @p1 $0x1  }
0x15: {  	[smem:$0x3FB5] =	sst s0;
	s0 =	simm.s32 @!p2 $0x0  }
0x16: {  	s3 =	sld [smem:$0x3FDB];
	s0 =	simm.s32 @p2 $0x1  }
0x17: {  	s4 =	simm.s32 $0x1BF5;
	[smem:$0x3FB7] =	sst s0  }
0x18: {  	s0 =	sld [smem:$0x3F9A];
	_ =	swait.ge [sflag:s4], $0x0  }
0x19: {  	s7 =	sld [smem:$0x3F9B]  }
0x1a: {  	s8 =	sadd.s32 $0xFFFFE003, lr  }
0x1b: {  	s9 =	sadd.s32 $0xFFFFFEF7, lr;
	s5 =	simm.s32 $0xFFFFFFFF;
	p2 =	slt.u32 s8, $0xFFFFF086  }
0x1c: {  	p1 =	slt.u32 s9, $0xF7A;
	s5 =	simm.s32 @!p2 $0x0  }
0x1d: {  	s5 =	simm.s32 @p1 $0x1;
	p0 =	seq.s32 s7, s2  }
0x1e: {  	s7 =	smul.u32 @!p0 $0xF7A, s2;
	p2 =	seq.s32 @!p0 s5, $0x0  }
0x1f: {  	s9 =	smul.u32 $0xF7A, s1;
	s8 =	simm.s32 @!p0 $0x1BF5;
	p2 =	por !p2, p0  }
0x20: {  	[sflag:s8] =	ssyncset.s32 @!p0 $0xFFFFF086;
	s6 =	sadd.s32 @!p0 s3, s7;
	s7 =	simm.s32 @!p0 $0x108  }
0x21: {  	s3 =	sadd.s32 s3, s9;
	s6 =	sadd.s32 @!p0 $0x88, s6;
	s7 =	simm.s32 @p2 $0x1082  }
0x22: {  	[simem:s7], [sflag:s8] =	dma.local @!p0 [hbm:s6], $0xF7A  }
0x23: {  	s9 =	sor.u32 $0xD0000000, s2;
	s6 =	simm.s32 $0x108;
	_ =	swait.ge @!p0 [sflag:s8], $0x0  }
0x24: {  	s3 =	sadd.s32 $0x88, s3;
	s6 =	simm.s32 @!p1 $0x1082;
	[sflag:s4] =	ssyncset.s32 $0xFFFFF086  }
0x25: {  	[simem:s6], [sflag:s4] =	dma.local [hbm:s3], $0xF7A  }
0x26: {  	[smem:$0x3F9B] =	sst s1;
	(tag) =	ssettag s2;
	_ =	strace s9  }
0x27: {  	s1 =	sld [smem:$0x3FAB]  }
0x28: {  	s2 =	sld [smem:$0x3FAC]  }
0x29: {  	s4 =	sld [smem:$0x3FAE]  }
0x2a: {  	p0 =	seq.s32 s5, $0x0;
	s5 =	sld [smem:$0x3FAF]  }
0x2b: {  	s6 =	sld [smem:$0x3FB0]  }
0x2c: {  	s7 =	sld [smem:$0x3FB1]  }
0x2d: {  	s3 =	simm.s32 $0x108;
	s8 =	sld [smem:$0x3FB2]  }
0x2e: {  	s3 =	simm.s32 @!p0 $0x1082;
	s9 =	sld [smem:$0x3FB3]  }
0x2f: {  	lr =	sadd.s32 s0, s3;
	s0 =	sld [smem:$0x3FAA]  }
0x30: {  	s3 =	sld [smem:$0x3FAD]  }
0x31: {  	[smem:$0x3FB6] =	sst s10  }
0x32: {  	s10 =	sld [smem:$0x3FB4];
	_ =	sdelay $0x3  }
0x33: {  	p0 =	seq.s32 s10, $0x1;
	s10 =	sld [smem:$0x3FB6];
	_ =	sdelay $0x3  }
0x34: {  	[smem:$0x3FB6] =	sst s10  }
0x35: {  	s10 =	sld [smem:$0x3FB5];
	_ =	sdelay $0x3  }
0x36: {  	p1 =	seq.s32 s10, $0x1;
	s10 =	sld [smem:$0x3FB6];
	_ =	sdelay $0x3  }
0x37: {  	[smem:$0x3FB6] =	sst s10  }
0x38: {  	s10 =	sld [smem:$0x3FB7]  }
0x39: {  	_ = 	snop;
	(pc) =	sbr.ind lr, $3  }
0x3a: {  	_ = 	snop  }
0x3b: {  	_ = 	snop  }
0x3c: {  	p2 =	seq.s32 s10, $0x1;
	s10 =	sld [smem:$0x3FB6]  }
0x3d: {  	_ =	shalt  }
0x3e: {  	_ =	shalt  }
0x3f: {  	_ =	shalt  }
0x40: {  	_ =	shalt  }
0x41: {  	_ =	shalt  }
0x42: {  	_ =	shalt  }
0x43: {  	_ =	shalt  }
0x44: {  	_ =	shalt  }
0x45: {  	_ =	shalt  }
0x46: {  	_ =	shalt  }
0x47: {  	_ =	shalt  }
0x48: {  	_ =	shalt  }
0x49: {  	_ =	shalt  }
0x4a: {  	_ =	shalt  }
0x4b: {  	_ =	shalt  }
0x4c: {  	_ =	shalt  }
0x4d: {  	_ =	shalt  }
0x4e: {  	_ =	shalt  }
0x4f: {  	_ =	shalt  }
0x50: {  	_ =	shalt  }
0x51: {  	_ =	shalt  }
0x52: {  	_ =	shalt  }
0x53: {  	_ =	shalt  }
0x54: {  	_ =	shalt  }
0x55: {  	_ =	shalt  }
0x56: {  	_ =	shalt  }
0x57: {  	_ =	shalt  }
0x58: {  	_ =	shalt  }
0x59: {  	_ =	shalt  }
0x5a: {  	_ =	shalt  }
0x5b: {  	_ =	shalt  }
0x5c: {  	_ =	shalt  }
0x5d: {  	_ =	shalt  }
0x5e: {  	_ =	shalt  }
0x5f: {  	_ =	shalt  }
0x60: {  	_ =	shalt  }
0x61: {  	_ =	shalt  }
0x62: {  	_ =	shalt  }
0x63: {  	_ =	shalt  }
0x64: {  	_ =	shalt  }
0x65: {  	_ =	shalt  }
0x66: {  	_ =	shalt  }
0x67: {  	_ =	shalt  }
0x68: {  	_ =	shalt  }
0x69: {  	_ =	shalt  }
0x6a: {  	_ =	shalt  }
0x6b: {  	_ =	shalt  }
0x6c: {  	_ =	shalt  }
0x6d: {  	_ =	shalt  }
0x6e: {  	_ =	shalt  }
0x6f: {  	_ =	shalt  }
0x70: {  	_ =	shalt  }
0x71: {  	_ =	shalt  }
0x72: {  	_ =	shalt  }
0x73: {  	_ =	shalt  }
0x74: {  	_ =	shalt  }
0x75: {  	_ =	shalt  }
0x76: {  	_ =	shalt  }
0x77: {  	_ =	shalt  }
0x78: {  	_ =	shalt  }
0x79: {  	_ =	shalt  }
0x7a: {  	_ =	shalt  }
0x7b: {  	_ =	shalt  }
0x7c: {  	_ =	shalt  }
0x7d: {  	_ =	shalt  }
0x7e: {  	_ =	shalt  }
0x7f: {  	_ =	shalt  }
0x80: {  	_ =	shalt  }
0x81: {  	_ =	shalt  }
0x82: {  	_ =	shalt  }
0x83: {  	_ =	shalt  }
0x84: {  	_ =	shalt  }
0x85: {  	_ =	shalt  }
0x86: {  	_ =	shalt  }
0x87: {  	_ =	shalt  }
.Lfunc_end0:
.L_simem_size_0:
called_computation.1_lowered:
.L_overlay_start_0:
0x88: {  	s2 =	sld [smem:$0x3FD9]  }
0x89: {  	s3 =	sld [smem:$0x3FFE];
	_ =	sdelay $0x1  }
0x8a: {  	s1 =	srdreg.scid  }
0x8b: {  	s0 =	sand.u32 $0x1, s1  }
0x8c: {  	s17 =	sshll.u32 s0, $0xA;
	s2 =	sadd.s32 s3, s2  }
0x8d: {  	s2 =	sadd.s32 s2, s17  }
0x8e: {  	[smem:$0x3FC2] =	sst s2  }
0x8f: {  	_ = 	snop  }
0x90: {  	s2 =	sld [smem:$0x3FD0];
	(tm) =	ssettm $0x1  }
0x91: {  	s18 =	sld [smem:$0x3FFB];
	_ =	sdelay $0x3  }
0x92: {  	_ =	strace s18  }
0x93: {  	s3 =	sld [smem:$0x3FFC];
	_ =	sdelay $0x3  }
0x94: {  	_ =	strace s3  }
0x95: {  	s3 =	sld [smem:$0x3FFD];
	_ =	sdelay $0x3  }
0x96: {  	_ =	strace s3  }
0x97: {  	_ =	strace $0x8FFFFFFF  }
0x98: {  	s19 =	sld [smem:$0x3FDB];
	_ =	sdelay $0x1  }
0x99: {  	s4 =	simm.s32 $_scs_section_size  }
0x9a: {  	s5 =	simm.s32 $_size__tile_overlayer_lowered;
	s6 =	simm.s32 $_tile_overlayer_lowered  }
0x9b: {  	s22 =	simm.s32 $0x1BFF;
	s21 =	sshll.u32 s6, $0x1;
	s3 =	sadd.s32 s4, s19  }
0x9c: {  	s7 =	simm.s32 $0x0;
	s20 =	sshll.u32 s5, $0x1;
	s5 =	sadd.s32 s21, s3  }
0x9d: {  	[timem:s7], [sflag:s22] =	dma.local [hbm:s5], s20  }
0x9e: {  	_ =	swait.ge [sflag:s22], s20  }
0x9f: {  	s4 =	ssub.s32 $0x0, s20;
	[sflag:s22] =	ssyncset.done $0x0  }
0xa0: {  	[sflag:s22] =	ssyncadd.s32 s4;
	_ =	sdelay $0x1  }
0xa1: {  	s23 =	simm.s32 $0x1B8B  }
0xa2: {  	_ =	swait.ge [sflag:s23], $0x1  }
0xa3: {  	[sflag:s23] =	ssyncset.done $0x0  }
0xa4: {  	s25 =	simm.s32 $0x1B8E;
	s24 =	sld [smem:$0x3FFE];
	[sflag:s23] =	ssyncadd.s32 $0xFFFFFFFF  }
0xa5: {  	s26 =	simm.s32 $execute0_lowered;
	[smem:$0x3FD2] =	sst s25  }
0xa6: {  	s5 =	sshll.u32 s26, $0x1;
	_ =	strace $0x80000049;
	[dreg:$0x1] =	wrdreg $0xFFFFFFFF  }
0xa7: {  	s28 =	simm.s32 $_size_execute0_lowered;
	s3 =	sadd.s32 s3, s5;
	[dreg:$0x0] =	wrdreg $0x0  }
0xa8: {  	s5 =	sshll.u32 s28, $0x1;
	[dreg:$0x2] =	wrdreg s3  }
0xa9: {  	[dreg:$0x3] =	wrdreg s5  }
0xaa: {  	[dreg:$0x4] =	wrdreg $0xC0  }
0xab: {  	_ =	task [dreg:s7], $0x5FFFF  }
0xac: {  	[dreg:$0x1] =	wrdreg $0xFFFFFFFF  }
0xad: {  	[dreg:$0x0] =	wrdreg $0x60  }
0xae: {  	[dreg:$0x2] =	wrdreg s24  }
0xaf: {  	[dreg:$0x3] =	wrdreg s2  }
0xb0: {  	[dreg:$0x4] =	wrdreg $0x0  }
0xb1: {  	[dreg:$0x5] =	wrdreg $0x9  }
0xb2: {  	_ =	task.clear_ibuf [dreg:s7], $0x6FFFF;
	_ =	strace $0x90000049  }
0xb3: {  	s29 =	simm.s32 $0x9;
	_ =	strace $0x8000004B  }
0xb4: {  	_ =	swait.ge [sflag:s29], $0x1  }
0xb5: {  	[sflag:s29] =	ssyncadd.s32 $0xFFFFFFFF  }
0xb6: {  	_ =	strace $0x9000004B  }
0xb7: {  	_ =	sfence  }
0xb8: {  	s30 =	sld [smem:$0x0];
	_ =	sdelay $0x2  }
0xb9: {  	s31 =	sshll.u32 s1, $0xD;
	s1 =	sshrl.u32 s1, $0x2  }
0xba: {  	s3 =	sand.u32 $0x4000, s31;
	s1 =	sadd.s32 s1, s30  }
0xbb: {  	s0 =	sor.u32 s3, s0;
	s1 =	sshll.u32 s1, $0x11  }
0xbc: {  	s0 =	sor.u32 s1, s0  }
0xbd: {  	s0 =	sadd.s32 $0x8F2B, s0  }
0xbe: {  	[sflag:s0] =	ssyncadd.remote.s32 $0x1  }
0xbf: {  	_ =	sfence.sel $0xFFFF  }
0xc0: {  	[dreg:$0x0] =	wrdreg $0xFFFFFFFF;
	(pc) =	sbr.abs _section_cstart, $3  }
0xc1: {  	[dreg:$0x1] =	wrdreg $0xFFFFFFFF  }
0xc2: {  	_ =	task.clear_ibuf [dreg:s7], $0x2FFFF;
	_ =	strace $0x9FFFFFFF  }
0xc3: {  	(tm) =	ssettm $0x7FFFFFFF  }
tec
execute0_lowered:
.L_overlay_start_1:
0x0: {  	(tag) =	ssettag $0x1  }
0x1: {  	s0 =	srdreg.scid;
	s1 =	rddreg [dreg:$0x0]  }
0x2: {  	s10 =	stileid.u32;
	s3 =	rddreg [dreg:$0x2]  }
0x3: {  	s4 =	simm.s32 $0x0;
	s16 =	simm.s32 $0x11;
	s20 =	simm.s32 $0x80  }
0x4: {  	s28 =	simm.s32 $0x1A400;
	s29 =	simm.s32 $0x1;
	s30 =	simm.s32 $0x1AC00  }
0x5: {  	s31 =	simm.s32 $0x2;
	s18 =	simm.s32 $0x1BC00;
	s19 =	simm.s32 $0x4  }
0x6: {  	s11 =	simm.s32 $0xC;
	s17 =	simm.s32 $0x1CC00;
	s12 =	simm.s32 $0x1DA00  }
0x7: {  	s0 =	sand.u32 $0x1, s0;
	s2 =	sshll.u32 s10, $0x1;
	[smem:$0x7FF] =	sst s4  }
0x8: {  	s6 =	smul.u32 $0xC400, s10;
	s5 =	sadd.s32 $0x33C00, s1;
	s7 =	sadd.s32 $0x64C00, s1  }
0x9: {  	s2 =	sor.u32 s0, s2;
	_ =	strace $0x8000004A;
	[dreg:$0x4] =	wrdreg s7  }
0xa: {  	s8 =	ssub.s32 $0x2, s0;
	s7 =	sadd.s32 $0x64E00, s1;
	s13 =	smul.u32 $0xC4000, s0  }
0xb: {  	p0 =	seq.s32 s0, $0x0;
	p1 =	sne.s32 s0, $0x0;
	s2 =	smul.u32 $0x6400, s2  }
0xc: {  	s22 =	sshrl.u32 s6, $0x3;
	s23 =	sshrl.u32 s8, $0x1;
	s6 =	sadd.s32 s6, s3  }
0xd: {  	s9 =	sadd.s32 s22, s1;
	s26 =	sshrl.u32 s6, $0x3;
	s2 =	sshrl.u32 s2, $0x3  }
0xe: {  	s9 =	sadd.s32 $0x4C400, s9;
	[dreg:$0xa] =	wrdreg s26;
	s2 =	sadd.s32 s2, s1  }
0xf: {  	s1 =	ssub.s32 s8, s23;
	s8 =	smul.u32 $0xC40, s10;
	s10 =	sshll.u32 s10, $0x6  }
0x10: {  	s0 =	simm.s32 $0x3;
	[dreg:$0x5] =	wrdreg s9;
	s24 =	sor.u32 $0x1C11, s10  }
0x11: {  	s22 =	simm.s32 $0x1C400;
	s25 =	sadd.s32 $0x1C00, s2;
	[dreg:$0x6] =	wrdreg s24  }
0x12: {  	s6 =	simm.s32 $0x8;
	s2 =	sadd.s32 $0x1AC00, s2;
	[dreg:$0x7] =	wrdreg s25  }
0x13: {  	s26 =	simm.s32 $0x7;
	s1 =	smax.u32 s1, $0x1;
	[dreg:$0x8] =	wrdreg s2  }
0x14: {  	s23 =	simm.s32 $0x19400;
	s10 =	simm.s32 $0xB;
	[dreg:$0x9] =	wrdreg s1  }
0x15: {  	s25 =	simm.s32 $0x19C00;
	s24 =	simm.s32 $0x5;
	s2 =	simm.s32 $0x0  }
.LBB2_1:
0x16: {  	[dreg:$0xb] =	wrdreg s2  }
0x17: {  	s1 =	rddreg [dreg:$0x5]  }
0x18: {  	s15 =	rddreg [dreg:$0x6]  }
0x19: {  	s9 =	rddreg [dreg:$0xa]  }
0x1a: {  	[spmem:s9], [sflag:s15] =	dma.local [hbm:s1], $0x1880  }
0x1b: {  	_ =	swait.ge [sflag:s16], $0x1880  }
0x1c: {  	[sflag:s16] =	ssyncset.done $0x0  }
0x1d: {  	s2 =	simm.s32 $0xC400;
	s21 =	rddreg [dreg:$0x7];
	[sflag:s16] =	ssyncadd.s32 $0xFFFFE780  }
0x1e: {  	[tilespmem:s2], [sflag:$0x11] =	stream.linear.gather [hbm4b:s21+s4], $0x6400, $0x38;
	[tilespmem:$0x1DA80] =	vst v63  }
0x1f: {  	_ =	swait.ge [sflag:s16], $0x6400  }
0x20: {  	[sflag:s16] =	ssyncset.done $0x0  }
0x21: {  	s14 =	simm.s32 $0x12800;
	s9 =	rddreg [dreg:$0x8];
	[sflag:s16] =	ssyncadd.s32 $0xFFFF9C00  }
0x22: {  	[tilespmem:s14], [sflag:$0x11] =	stream.linear.gather [hbm4b:s9+s4], $0x6400, $0x38;
	[tilespmem:$0x1DA80] =	vst v63  }
0x23: {  	_ =	swait.ge [sflag:s16], $0x6400  }
0x24: {  	[sflag:s16] =	ssyncset.done $0x0  }
0x25: {  	s21 =	simm.s32 $0x1DA70;
	s15 =	rddreg [dreg:$0x4];
	[sflag:s16] =	ssyncadd.s32 $0xFFFF9C00  }
0x26: {  	[tilespmem:s21], [sflag:$0x11] =	stream.linear.gather [hbm4b:s15+s4], $0x10, $0x38;
	[tilespmem:$0x1DA80] =	vst v63  }
0x27: {  	_ =	swait.ge [sflag:s16], $0x10  }
0x28: {  	[sflag:s16] =	ssyncset.done $0x0  }
0x29: {  	[sflag:s16] =	ssyncadd.s32 $0xFFFFFFF0  }
0x2a: {  	s9 =	simm.s32 $0x18C00;
	[bflag:$0x0] =	sbarrier.arrive $0xFFFF  }
0x2b: {  	[tilespmem:s9], [sflag:$0x1] =	stream.indirect.gather [hbm4b:s5+s20], $0x10, s2, s20, $0xb8;
	[tilespmem:$0x1DA80] =	vst v63  }
0x2c: {  	s14 =	simm.s32 $0xC480  }
0x2d: {  	[tilespmem:s23], [sflag:$0x2] =	stream.indirect.gather [hbm4b:s5+s20], $0x10, s14, s20, $0xb8;
	[tilespmem:$0x1DA80] =	vst v63  }
0x2e: {  	s15 =	simm.s32 $0xC500  }
0x2f: {  	[tilespmem:s25], [sflag:$0x3] =	stream.indirect.gather [hbm4b:s5+s20], $0x10, s15, s20, $0xb8;
	[tilespmem:$0x1DA80] =	vst v63  }
0x30: {  	s1 =	simm.s32 $0x0;
	s21 =	simm.s32 $0xC580  }
0x31: {  	[tilespmem:s28], [sflag:$0x4] =	stream.indirect.gather [hbm4b:s5+s20], $0x10, s21, s20, $0xb8;
	[tilespmem:$0x1DA80] =	vst v63  }
.LBB2_2:
0x32: {  	_ =	swait.ge [sflag:s29], $0x800  }
0x33: {  	s2 =	sshra.s32 s1, $0x2;
	s14 =	simm.s32 $0x18C00;
	[sflag:s29] =	ssyncset.done $0x0  }
0x34: {  	p2 =	seq.s32 s1, $0x0;
	s9 =	sadd.s32 $0x12800, s2;
	[sflag:s29] =	ssyncadd.s32 $0xFFFFF800  }
0x35: {  	[spmem:s3] =	stream.indirect.scatter.add.f32 [tilespmem:s14], [sflag:$0x9], $0x10, s9, s20, $0xb8;
	[tilespmem:$0x1DA80] =	vst v63  }
0x36: {  	s9 =	simm.s32 @!p2 $0xD  }
0x37: {  	_ =	swait.ge @!p2 [sflag:s9], $0x800  }
0x38: {  	[sflag:s9] =	ssyncset.done @!p2 $0x0  }
0x39: {  	s21 =	sadd.s32 $0xC600, s2;
	[sflag:s9] =	ssyncadd.s32 @!p2 $0xFFFFF800  }
0x3a: {  	[tilespmem:s30], [sflag:$0x5] =	stream.indirect.gather [hbm4b:s5+s20], $0x10, s21, s20, $0xb8;
	[tilespmem:$0x1DA80] =	vst v63  }
0x3b: {  	_ =	swait.ge [sflag:s31], $0x800  }
0x3c: {  	[sflag:s31] =	ssyncset.done $0x0  }
0x3d: {  	s14 =	sadd.s32 $0x12880, s2;
	s9 =	simm.s32 @!p2 $0xE;
	[sflag:s31] =	ssyncadd.s32 $0xFFFFF800  }
0x3e: {  	[spmem:s3] =	stream.indirect.scatter.add.f32 [tilespmem:s23], [sflag:$0xA], $0x10, s14, s20, $0xb8;
	[tilespmem:$0x1DA80] =	vst v63  }
0x3f: {  	_ =	swait.ge @!p2 [sflag:s9], $0x800  }
0x40: {  	[sflag:s9] =	ssyncset.done @!p2 $0x0  }
0x41: {  	s15 =	sadd.s32 $0xC680, s2;
	s21 =	simm.s32 $0x1B400;
	[sflag:s9] =	ssyncadd.s32 @!p2 $0xFFFFF800  }
0x42: {  	[tilespmem:s21], [sflag:$0x6] =	stream.indirect.gather [hbm4b:s5+s20], $0x10, s15, s20, $0xb8;
	[tilespmem:$0x1DA80] =	vst v63  }
0x43: {  	_ =	swait.ge [sflag:s0], $0x800  }
0x44: {  	[sflag:s0] =	ssyncset.done $0x0  }
0x45: {  	s14 =	sadd.s32 $0x12900, s2;
	s9 =	simm.s32 @!p2 $0xF;
	[sflag:s0] =	ssyncadd.s32 $0xFFFFF800  }
0x46: {  	[spmem:s3] =	stream.indirect.scatter.add.f32 [tilespmem:s25], [sflag:$0xB], $0x10, s14, s20, $0xb8;
	[tilespmem:$0x1DA80] =	vst v63  }
0x47: {  	_ =	swait.ge @!p2 [sflag:s9], $0x800  }
0x48: {  	[sflag:s9] =	ssyncset.done @!p2 $0x0  }
0x49: {  	s15 =	sadd.s32 $0xC700, s2;
	[sflag:s9] =	ssyncadd.s32 @!p2 $0xFFFFF800  }
0x4a: {  	[tilespmem:s18], [sflag:$0x7] =	stream.indirect.gather [hbm4b:s5+s20], $0x10, s15, s20, $0xb8;
	[tilespmem:$0x1DA80] =	vst v63  }
0x4b: {  	_ =	swait.ge [sflag:s19], $0x800  }
0x4c: {  	[sflag:s19] =	ssyncset.done $0x0  }
0x4d: {  	s21 =	sadd.s32 $0x12980, s2;
	s9 =	simm.s32 @!p2 $0x10;
	[sflag:s19] =	ssyncadd.s32 $0xFFFFF800  }
0x4e: {  	[spmem:s3] =	stream.indirect.scatter.add.f32 [tilespmem:s28], [sflag:$0xC], $0x10, s21, s20, $0xb8;
	[tilespmem:$0x1DA80] =	vst v63  }
0x4f: {  	_ =	swait.ge @!p2 [sflag:s9], $0x800  }
0x50: {  	[sflag:s9] =	ssyncset.done @!p2 $0x0  }
0x51: {  	s14 =	sadd.s32 $0xC780, s2;
	[sflag:s9] =	ssyncadd.s32 @!p2 $0xFFFFF800  }
0x52: {  	[tilespmem:s22], [sflag:$0x8] =	stream.indirect.gather [hbm4b:s5+s20], $0x10, s14, s20, $0xb8;
	[tilespmem:$0x1DA80] =	vst v63  }
0x53: {  	_ =	swait.ge [sflag:s24], $0x800  }
0x54: {  	p2 =	seq.s32 s1, $0x18000;
	[sflag:s24] =	ssyncset.done $0x0  }
0x55: {  	s15 =	sadd.s32 $0x12A00, s2;
	s9 =	simm.s32 @p2 $0x6;
	[sflag:s24] =	ssyncadd.s32 $0xFFFFF800  }
0x56: {  	[spmem:s3] =	stream.indirect.scatter.add.f32 [tilespmem:s30], [sflag:$0xD], $0x10, s15, s20, $0xb8;
	[tilespmem:$0x1DA80] =	vst v63  }
0x57: {  	_ =	swait.ge @p2 [sflag:s9], $0x800  }
0x58: {  	[sflag:s9] =	ssyncset.done @p2 $0x0  }
0x59: {  	[sflag:s9] =	ssyncadd.s32 @p2 $0xFFFFF800;
	s9 =	sshra.s32 @p2 s1, $0x2  }
0x5a: {  	s14 =	simm.s32 @p2 $0x80;
	s15 =	simm.s32 @p2 $0x1B400;
	s9 =	sadd.s32 @p2 $0x12A80, s9  }
0x5b: {  	[spmem:s3] =	stream.indirect.scatter.add.f32 @p2 [tilespmem:s15], [sflag:$0xE], $0x10, s9, s14, $0xb8;
	[tilespmem:$0x1DA80] =	vst v63  }
0x5c: {  	s9 =	simm.s32 @!p2 $0x9  }
0x5d: {  	_ =	swait.ge @!p2 [sflag:s9], $0x800  }
0x5e: {  	[sflag:s9] =	ssyncset.done @!p2 $0x0  }
0x5f: {  	[sflag:s9] =	ssyncadd.s32 @!p2 $0xFFFFF800;
	s9 =	sshra.s32 @!p2 s1, $0x2  }
0x60: {  	s21 =	simm.s32 @!p2 $0x18C00;
	s15 =	simm.s32 @!p2 $0x80;
	s14 =	sadd.s32 @!p2 $0xC800, s9  }
0x61: {  	[tilespmem:s21], [sflag:$0x1] =	stream.indirect.gather @!p2 [hbm4b:s5+s15], $0x10, s14, s15, $0xb8;
	[tilespmem:$0x1DA80] =	vst v63  }
0x62: {  	s14 =	simm.s32 @!p2 $0x6  }
0x63: {  	_ =	swait.ge @!p2 [sflag:s14], $0x800  }
0x64: {  	[sflag:s14] =	ssyncset.done @!p2 $0x0  }
0x65: {  	s21 =	simm.s32 @!p2 $0x1B400;
	[sflag:s14] =	ssyncadd.s32 @!p2 $0xFFFFF800;
	s14 =	sadd.s32 @!p2 $0x12A80, s9  }
0x66: {  	[spmem:s3] =	stream.indirect.scatter.add.f32 @!p2 [tilespmem:s21], [sflag:$0xE], $0x10, s14, s15, $0xb8;
	[tilespmem:$0x1DA80] =	vst v63  }
0x67: {  	s14 =	simm.s32 @!p2 $0xA  }
0x68: {  	_ =	swait.ge @!p2 [sflag:s14], $0x800  }
0x69: {  	[sflag:s14] =	ssyncset.done @!p2 $0x0  }
0x6a: {  	s9 =	sadd.s32 @!p2 $0xC880, s9;
	[sflag:s14] =	ssyncadd.s32 @!p2 $0xFFFFF800;
	s14 =	simm.s32 @!p2 $0x19400  }
0x6b: {  	[tilespmem:s14], [sflag:$0x2] =	stream.indirect.gather @!p2 [hbm4b:s5+s15], $0x10, s9, s15, $0xb8;
	[tilespmem:$0x1DA80] =	vst v63  }
.Ltmp0:
0x6c: {  	_ = 	snop;
	(pc) =	sbr.rel @p2 .LBB2_4-.Ltmp0, $4  }
0x6d: {  	_ =	swait.ge [sflag:s26], $0x800  }
0x6e: {  	[sflag:s26] =	ssyncset.done $0x0  }
0x6f: {  	s21 =	sadd.s32 $0x12B00, s2;
	s9 =	sadd.s32 $0x12B80, s2;
	[sflag:s26] =	ssyncadd.s32 $0xFFFFF800  }
0x70: {  	[spmem:s3] =	stream.indirect.scatter.add.f32 [tilespmem:s18], [sflag:$0xF], $0x10, s21, s20, $0xb8;
	[tilespmem:$0x1DA80] =	vst v63  }
0x71: {  	_ =	swait.ge [sflag:s10], $0x800  }
0x72: {  	[sflag:s10] =	ssyncset.done $0x0  }
0x73: {  	s14 =	sadd.s32 $0xC900, s2;
	[sflag:s10] =	ssyncadd.s32 $0xFFFFF800  }
0x74: {  	[tilespmem:s25], [sflag:$0x3] =	stream.indirect.gather [hbm4b:s5+s20], $0x10, s14, s20, $0xb8;
	[tilespmem:$0x1DA80] =	vst v63  }
0x75: {  	_ =	swait.ge [sflag:s6], $0x800  }
0x76: {  	[sflag:s6] =	ssyncset.done $0x0  }
0x77: {  	[sflag:s6] =	ssyncadd.s32 $0xFFFFF800  }
0x78: {  	[spmem:s3] =	stream.indirect.scatter.add.f32 [tilespmem:s22], [sflag:$0x10], $0x10, s9, s20, $0xb8;
	[tilespmem:$0x1DA80] =	vst v63  }
.Ltmp1:
0x79: {  	_ = 	snop;
	(pc) =	sbr.rel .LBB2_2-.Ltmp1, $4  }
0x7a: {  	_ =	swait.ge [sflag:s11], $0x800  }
0x7b: {  	[sflag:s11] =	ssyncset.done $0x0  }
0x7c: {  	s21 =	sadd.s32 $0xC980, s2;
	s1 =	sadd.s32 $0x1000, s1;
	[sflag:s11] =	ssyncadd.s32 $0xFFFFF800  }
0x7d: {  	[tilespmem:s28], [sflag:$0x4] =	stream.indirect.gather [hbm4b:s5+s20], $0x10, s21, s20, $0xb8;
	[tilespmem:$0x1DA80] =	vst v63  }
.LBB2_4:
0x7e: {  	_ =	swait.ge [sflag:s6], $0x800  }
0x7f: {  	[sflag:s6] =	ssyncset.done $0x0  }
0x80: {  	s1 =	simm.s32 $0x9;
	[sflag:s6] =	ssyncadd.s32 $0xFFFFF800  }
0x81: {  	[spmem:s3] =	stream.indirect.scatter.add.f32 [tilespmem:s22], [sflag:$0x10], $0x10, s9, s20, $0xb8;
	[tilespmem:$0x1DA80] =	vst v63  }
0x82: {  	_ =	swait.ge [sflag:s1], $0x800  }
0x83: {  	[sflag:s1] =	ssyncset.done $0x0  }
0x84: {  	s2 =	simm.s32 $0xA;
	[sflag:s1] =	ssyncadd.s32 $0xFFFFF800  }
0x85: {  	_ =	swait.ge [sflag:s2], $0x800  }
0x86: {  	[sflag:s2] =	ssyncset.done $0x0  }
0x87: {  	[sflag:s2] =	ssyncadd.s32 $0xFFFFF800  }
0x88: {  	_ =	swait.ge [sflag:s10], $0x800  }
0x89: {  	[sflag:s10] =	ssyncset.done $0x0  }
0x8a: {  	[sflag:s10] =	ssyncadd.s32 $0xFFFFF800  }
0x8b: {  	_ =	swait.ge [sflag:s11], $0x800  }
0x8c: {  	[sflag:s11] =	ssyncset.done $0x0  }
0x8d: {  	s9 =	simm.s32 $0xD;
	[sflag:s11] =	ssyncadd.s32 $0xFFFFF800  }
0x8e: {  	_ =	swait.ge [sflag:s9], $0x800  }
0x8f: {  	[sflag:s9] =	ssyncset.done $0x0  }
0x90: {  	s14 =	simm.s32 $0xE;
	[sflag:s9] =	ssyncadd.s32 $0xFFFFF800  }
0x91: {  	_ =	swait.ge [sflag:s14], $0x800  }
0x92: {  	[sflag:s14] =	ssyncset.done $0x0  }
0x93: {  	s15 =	simm.s32 $0xF;
	[sflag:s14] =	ssyncadd.s32 $0xFFFFF800  }
0x94: {  	_ =	swait.ge [sflag:s15], $0x800  }
0x95: {  	[sflag:s15] =	ssyncset.done $0x0  }
0x96: {  	s21 =	simm.s32 $0x10;
	[sflag:s15] =	ssyncadd.s32 $0xFFFFF800  }
0x97: {  	_ =	swait.ge [sflag:s21], $0x800  }
0x98: {  	[sflag:s21] =	ssyncset.done $0x0  }
0x99: {  	[sflag:s21] =	ssyncadd.s32 $0xFFFFF800  }
0x9a: {  	[bflag:$0x0] =	sbarrier.arrive $0xFFFF  }
0x9b: {  	v0 =	vld [tilespmem:$0x1DA70];
	_ =	sdelay $0x4  }
0x9c: {  	s9 =	simm.s32 $0x0;
	v0 =	vpsel !p0, $0x0, v0  }
.LBB2_5:
0x9d: {  	s1 =	smul.u32 $0x70, s9;
	_ =	sdelay $0x1  }
0x9e: {  	s1 =	sadd.s32 s8, s1  }
0x9f: {  	s15 =	sshll.u32 s1, $0x4  }
0xa0: {  	s2 =	sadd.s32 s15, s3  }
0xa1: {  	[tilespmem:s17], [sflag:$0x11] =	stream.linear.gather [spmem:s2], $0x700, $0x38;
	[tilespmem:$0x1DA80] =	vst v63  }
0xa2: {  	_ =	swait.ge [sflag:s16], $0x700  }
0xa3: {  	[sflag:s16] =	ssyncset.done $0x0  }
0xa4: {  	[sflag:s16] =	ssyncadd.s32 $0xFFFFF900  }
0xa5: {  	s21 =	sshrl.u32 s1, $0x3;
	s14 =	rddreg [dreg:$0x1]  }
.Ltmp2:
0xa6: {  	s2 =	sadd.s32 s14, s21;
	(pc) =	sbr.rel @p1 .LBB2_9-.Ltmp2, $4  }
0xa7: {  	[tilespmem:s12], [sflag:$0x11] =	stream.linear.gather [hbm4b:s2+s4], $0x70, $0x38;
	[tilespmem:$0x1DA80] =	vst v63  }
0xa8: {  	_ =	swait.ge [sflag:s16], $0x70  }
0xa9: {  	[sflag:s16] =	ssyncset.done $0x0  }
0xaa: {  	[sflag:s16] =	ssyncadd.s32 $0xFFFFFF90  }
0xab: {  	s1 =	sshll.u32 s1, $0x1  }
0xac: {  	s2 =	simm.s32 $0x0;
	s14 =	simm.s32 $0x1D300;
	s1 =	sadd.s32 s5, s1  }
0xad: {  	[tilespmem:s14], [sflag:$0x11] =	stream.linear.gather [hbm4b:s1+s2], $0x700, $0x38;
	[tilespmem:$0x1DA80] =	vst v63  }
0xae: {  	_ =	swait.ge [sflag:s16], $0x700  }
0xaf: {  	[sflag:s16] =	ssyncset.done $0x0  }
0xb0: {  	s1 =	simm.s32 $0x0;
	[sflag:s16] =	ssyncadd.s32 $0xFFFFF900  }
0xb1: {  	s2 =	simm.s32 $0x40;
	v1 =	vld [tilespmem:s1+$0x1D300]  }
.LBB2_7:
0xb2: {  	p2 =	sne.s32 s2, $0x1BC0;
	v2 =	vld [tilespmem:s1+$0x1CC00];
	_ =	sdelay $0x2  }
.Ltmp3:
0xb3: {  	(pc) =	sbr.rel @p2 .LBB2_7-.Ltmp3, $4  }
0xb4: {  	_ = 	snop  }
0xb5: {  	v2 =	vadd.f32 v1, v2  }
0xb6: {  	s14 =	sshra.s32 s2, $0x2  }
0xb7: {  	s2 =	sadd.s32 $0x40, s2;
	v1 =	vld [tilespmem:s14+$0x1D300];
	[tilespmem:s1+$0x1CC00] =	vst v2;
	s1 =	smov.u32 s14  }
0xb8: {  	v2 =	vld [tilespmem:s1+$0x1CC00];
	_ =	sdelay $0x4  }
0xb9: {  	v1 =	vadd.f32 v1, v2;
	_ =	sdelay $0x1  }
0xba: {  	[tilespmem:s1+$0x1CC00] =	vst v1  }
.LBB2_9:
0xbb: {  	s2 =	simm.s32 $0x1CC80  }
0xbc: {  	s21 =	simm.s32 $0x0;
	s1 =	simm.s32 $0x40;
	s14 =	simm.s32 $0x1CC80;
	v1 =	vld [tilespmem:s2+$0xFFFFFFB0]  }
.LBB2_10:
0xbd: {  	p2 =	sne.s32 s1, $0x180;
	v2 =	vld [tilespmem:s21+$0x1DA00]  }
0xbe: {  	v3 =	vld [tilespmem:s2+$0xFFFFFF90]  }
0xbf: {  	v4 =	vld [tilespmem:s2+$0xFFFFFF80]  }
0xc0: {  	v5 =	vld [tilespmem:s2+$0xFFFFFFA0];
	_ =	sdelay $0x1  }
0xc1: {  	v6 =	vbroadcast v2, $0x0;
	v7 =	vbroadcast v2, $0x1  }
0xc2: {  	v8 =	vbroadcast v2, $0x2;
	v9 =	vbroadcast v2, $0x3;
	v10 =	vld [tilespmem:s2+$0xFFFFFFC0]  }
0xc3: {  	v4 =	vmul.f32 v4, v6;
	v3 =	vmul.f32 v3, v7;
	v6 =	vld [tilespmem:s2+$0xFFFFFFD0]  }
0xc4: {  	v1 =	vmul.f32 v1, v9;
	v5 =	vmul.f32 v5, v8;
	v7 =	vld [tilespmem:s2+$0xFFFFFFE0]  }
0xc5: {  	v8 =	vbroadcast v2, $0x4;
	v4 =	vadd.f32 v4, v0;
	v3 =	vadd.f32 v3, v0;
	v9 =	vld [tilespmem:s2+$0xFFFFFFF0]  }
0xc6: {  	v11 =	vbroadcast v2, $0x5;
	v1 =	vadd.f32 v1, v0;
	v5 =	vadd.f32 v5, v0;
	v12 =	vld [tilespmem:s2+$0x0]  }
0xc7: {  	[tilespmem:s2+$0xFFFFFF80] =	vst v4;
	v4 =	vmul.f32 v10, v8;
	v8 =	vbroadcast v2, $0x6;
	v10 =	vld [tilespmem:s2+$0x10]  }
0xc8: {  	[tilespmem:s2+$0xFFFFFF90] =	vst v3;
	v3 =	vmul.f32 v6, v11;
	v6 =	vbroadcast v2, $0x7;
	v11 =	vld [tilespmem:s2+$0x20]  }
0xc9: {  	[tilespmem:s2+$0xFFFFFFA0] =	vst v5;
	v4 =	vadd.f32 v4, v0;
	v5 =	vmul.f32 v7, v8;
	v7 =	vbroadcast v2, $0x8;
	v8 =	vld [tilespmem:s2+$0x30]  }
0xca: {  	[tilespmem:s2+$0xFFFFFFB0] =	vst v1;
	v1 =	vadd.f32 v3, v0;
	v3 =	vmul.f32 v9, v6;
	v6 =	vbroadcast v2, $0x9;
	v9 =	vld [tilespmem:s2+$0x40]  }
0xcb: {  	[tilespmem:s2+$0xFFFFFFC0] =	vst v4;
	v4 =	vadd.f32 v5, v0;
	v5 =	vmul.f32 v12, v7;
	v7 =	vbroadcast v2, $0xA;
	v12 =	vld [tilespmem:s2+$0x50]  }
0xcc: {  	[tilespmem:s2+$0xFFFFFFD0] =	vst v1;
	v1 =	vadd.f32 v3, v0;
	v3 =	vmul.f32 v10, v6;
	v6 =	vbroadcast v2, $0xB;
	v10 =	vld [tilespmem:s2+$0x60]  }
0xcd: {  	[tilespmem:s2+$0xFFFFFFE0] =	vst v4;
	v4 =	vadd.f32 v5, v0;
	v5 =	vmul.f32 v11, v7;
	v7 =	vbroadcast v2, $0xC;
	v11 =	vld [tilespmem:s2+$0x70]  }
0xce: {  	[tilespmem:s2+$0xFFFFFFF0] =	vst v1;
	v1 =	vadd.f32 v3, v0;
	v3 =	vmul.f32 v8, v6;
	v6 =	vbroadcast v2, $0xD  }
0xcf: {  	[tilespmem:s2+$0x0] =	vst v4;
	v4 =	vadd.f32 v5, v0;
	v5 =	vmul.f32 v9, v7;
	v7 =	vbroadcast v2, $0xE  }
0xd0: {  	v2 =	vbroadcast v2, $0xF;
	[tilespmem:s2+$0x10] =	vst v1;
	v1 =	vadd.f32 v3, v0;
	v3 =	vmul.f32 v12, v6  }
0xd1: {  	[tilespmem:s2+$0x20] =	vst v4;
	v4 =	vadd.f32 v5, v0;
	v5 =	vmul.f32 v10, v7  }
.Ltmp4:
0xd2: {  	[tilespmem:s2+$0x30] =	vst v1;
	v1 =	vadd.f32 v3, v0;
	v2 =	vmul.f32 v11, v2;
	(pc) =	sbr.rel @p2 .LBB2_10-.Ltmp4, $4  }
0xd3: {  	[tilespmem:s2+$0x40] =	vst v4;
	v3 =	vadd.f32 v5, v0  }
0xd4: {  	[tilespmem:s2+$0x50] =	vst v1;
	v2 =	vadd.f32 v2, v0  }
0xd5: {  	s2 =	sadd.s32 $0x100, s2;
	[tilespmem:s14+$0x60] =	vst v3  }
0xd6: {  	s21 =	sshra.s32 s1, $0x2;
	s1 =	sadd.s32 $0x40, s1;
	v1 =	vld [tilespmem:s2+$0xFFFFFFB0];
	[tilespmem:s14+$0x70] =	vst v2;
	s14 =	smov.u32 s2  }
0xd7: {  	v2 =	vld [tilespmem:s21+$0x1DA00];
	_ =	sdelay $0x1  }
0xd8: {  	v3 =	vld [tilespmem:s2+$0xFFFFFF80]  }
0xd9: {  	v4 =	vld [tilespmem:s2+$0xFFFFFF90];
	_ =	sdelay $0x1  }
0xda: {  	v5 =	vld [tilespmem:s2+$0xFFFFFFA0];
	v6 =	vbroadcast v2, $0x0  }
0xdb: {  	v34 =	vld [tilespmem:s2+$0xFFFFFFD0];
	v7 =	vbroadcast v2, $0x1;
	v9 =	vbroadcast v2, $0x2  }
0xdc: {  	v8 =	vld [tilespmem:s2+$0xFFFFFFC0];
	v10 =	vbroadcast v2, $0x3;
	v3 =	vmul.f32 v3, v6  }
0xdd: {  	v11 =	vld [tilespmem:s2+$0xFFFFFFF0];
	v36 =	vbroadcast v2, $0x4;
	v4 =	vmul.f32 v4, v7  }
0xde: {  	v35 =	vld [tilespmem:s2+$0xFFFFFFE0];
	v37 =	vbroadcast v2, $0x5;
	v1 =	vmul.f32 v1, v10;
	v3 =	vadd.f32 v3, v0  }
0xdf: {  	v39 =	vld [tilespmem:s2+$0x10];
	v38 =	vbroadcast v2, $0x6;
	v5 =	vmul.f32 v5, v9;
	v4 =	vadd.f32 v4, v0  }
0xe0: {  	v12 =	vld [tilespmem:s2+$0x0];
	v41 =	vbroadcast v2, $0x7;
	v40 =	vmul.f32 v34, v37;
	v1 =	vadd.f32 v1, v0;
	[tilespmem:s2+$0xFFFFFF80] =	vst v3  }
0xe1: {  	v45 =	vld [tilespmem:s2+$0x30];
	v44 =	vbroadcast v2, $0x8;
	v5 =	vadd.f32 v5, v0;
	v3 =	vmul.f32 v8, v36;
	[tilespmem:s2+$0xFFFFFF90] =	vst v4  }
0xe2: {  	v42 =	vld [tilespmem:s2+$0x20];
	v47 =	vbroadcast v2, $0x9;
	v46 =	vmul.f32 v11, v41;
	[tilespmem:s2+$0xFFFFFFB0] =	vst v1;
	v1 =	vadd.f32 v40, v0  }
0xe3: {  	v51 =	vld [tilespmem:s2+$0x50];
	v50 =	vbroadcast v2, $0xA;
	v43 =	vmul.f32 v35, v38;
	[tilespmem:s2+$0xFFFFFFA0] =	vst v5;
	v3 =	vadd.f32 v3, v0  }
0xe4: {  	v48 =	vld [tilespmem:s2+$0x40];
	v53 =	vbroadcast v2, $0xB;
	v52 =	vmul.f32 v39, v47;
	[tilespmem:s2+$0xFFFFFFD0] =	vst v1;
	v1 =	vadd.f32 v46, v0  }
0xe5: {  	v57 =	vld [tilespmem:s2+$0x70];
	v56 =	vbroadcast v2, $0xC;
	v49 =	vmul.f32 v12, v44;
	[tilespmem:s2+$0xFFFFFFC0] =	vst v3;
	v3 =	vadd.f32 v43, v0  }
0xe6: {  	v54 =	vld [tilespmem:s2+$0x60];
	v59 =	vbroadcast v2, $0xD;
	v58 =	vmul.f32 v45, v53;
	[tilespmem:s2+$0xFFFFFFF0] =	vst v1;
	v1 =	vadd.f32 v52, v0  }
0xe7: {  	v61 =	vbroadcast v2, $0xE;
	v55 =	vmul.f32 v42, v50;
	[tilespmem:s2+$0xFFFFFFE0] =	vst v3;
	v3 =	vadd.f32 v49, v0  }
0xe8: {  	v2 =	vbroadcast v2, $0xF;
	v62 =	vmul.f32 v51, v59;
	[tilespmem:s2+$0x10] =	vst v1;
	v1 =	vadd.f32 v58, v0  }
0xe9: {  	v60 =	vmul.f32 v48, v56;
	[tilespmem:s2+$0x0] =	vst v3;
	v3 =	vadd.f32 v55, v0  }
0xea: {  	v2 =	vmul.f32 v57, v2;
	[tilespmem:s2+$0x30] =	vst v1;
	v1 =	vadd.f32 v62, v0  }
0xeb: {  	v63 =	vmul.f32 v54, v61;
	[tilespmem:s2+$0x20] =	vst v3;
	v3 =	vadd.f32 v60, v0  }
0xec: {  	[tilespmem:s2+$0x50] =	vst v1;
	v1 =	vadd.f32 v2, v0  }
0xed: {  	s1 =	sadd.s32 s13, s15;
	s9 =	sadd.s32 $0x1, s9;
	[tilespmem:s2+$0x40] =	vst v3;
	v3 =	vadd.f32 v63, v0  }
0xee: {  	s1 =	sshrl.u32 s1, $0x3;
	p2 =	sne.s32 s9, $0x1C;
	[tilespmem:s14+$0x70] =	vst v1  }
.Ltmp5:
0xef: {  	s1 =	sadd.s32 s7, s1;
	[tilespmem:s14+$0x60] =	vst v3;
	(pc) =	sbr.rel @p2 .LBB2_5-.Ltmp5, $4  }
0xf0: {  	[hbm4b:s1+s4] =	stream.linear.scatter [tilespmem:s17], [sflag:$0x11], $0x700, $0x38;
	[tilespmem:$0x1DA80] =	vst v63  }
0xf1: {  	_ =	swait.ge [sflag:s16], $0x700  }
0xf2: {  	[sflag:s16] =	ssyncset.done $0x0  }
0xf3: {  	[sflag:s16] =	ssyncadd.s32 $0xFFFFF900  }
0xf4: {  	s2 =	rddreg [dreg:$0xb]  }
0xf5: {  	s1 =	rddreg [dreg:$0x9];
	s2 =	sadd.s32 $0x1, s2  }
0xf6: {  	p2 =	sne.s32 s2, s1  }
.Ltmp6:
0xf7: {  	_ = 	snop;
	(pc) =	sbr.rel @p2 .LBB2_1-.Ltmp6, $1  }
0xf8: {  	_ =	sdelay $0x3  }
0xf9: {  	_ =	sfence.sel $0x180000  }
0xfa: {  	[bflag:$0x0] =	sbarrier.arrive $0xFFFF  }
0xfb: {  	_ =	strace $0x9000004A  }
0xfc: {  	s0 =	stileid.u32;
	[bflag:$0x2] =	sbarrier.arrive $0xFFFF  }
0xfd: {  	p0 =	sne.s32 s0, $0x0;
	s0 =	rddreg [dreg:$0x3]  }
0xfe: {  	s0 =	sadd.s32 @!p0 $0x100000, s0  }
0xff: {  	[sflag:s0] =	ssyncadd.tile.s32 @!p0 $0x1;
	_ =	shalt  }
.Lfunc_end2:
_tile_overlayer_lowered:
.L_overlay_start_2:
0x100: {  	(tag) =	ssettag $0x2  }
0x101: {  	s0 =	rddreg [dreg:$0x0];
	s2 =	stileid.u32  }
0x102: {  	s1 =	rddreg [dreg:$0x1];
	p0 =	sne.s32 s2, $0x0  }
0x103: {  	s3 =	rddreg [dreg:$0x2];
	[bflag:$0x3] =	sbarrier.arrive $0xFFFF;
	s2 =	simm.s32 @!p0 $0x1C11  }
0x104: {  	[timem:s3], [sflag:s2] =	dma.local @!p0 [hbm:s0], s1  }
0x105: {  	s0 =	simm.s32 @!p0 $0x11  }
0x106: {  	_ =	swait.ge @!p0 [sflag:s0], s1  }
0x107: {  	s1 =	ssub.s32 @!p0 $0x0, s1;
	[sflag:s0] =	ssyncset.done @!p0 $0x0  }
0x108: {  	[sflag:s0] =	ssyncadd.s32 @!p0 s1  }
0x109: {  	[bflag:$0x3] =	sbarrier.arrive $0xFFFF  }
0x10a: {  	_ =	shalt  }

</sc_bundles>
